<compile_context>
chip_gen: v7x
topology: tpu7x:2x2x1
jax: 0.10.2.dev20260603
libtpu: 0.0.44.dev20260713+nightly
codegen_flags: <defaults>
</compile_context>

<pallas_src>
import functools

import jax
import jax.numpy as jnp
from jax import lax
from jax.experimental import pallas as pl
from jax.experimental.pallas import tpu as pltpu
from jax.experimental.pallas import tpu_sc as plsc

N = 10000
E = 320000
D = 128

NC = 2
NS = 16
NW = NC * NS
EPT = E // NW
NPAD = 10240
HSIZE = 2 * NPAD
HALF = NPAD // 2
CHUNK = 125
EPS = E // NS
NCHUNK = EPS // CHUNK
AGG_PER_TILE = HALF // NS
ZROWS = 64

_mesh = plsc.VectorSubcoreMesh(
    core_axis_name="c", subcore_axis_name="s", num_cores=NC, num_subcores=NS)

_sc_params = pltpu.CompilerParams(needs_layout_passes=False)


def _wid():
    return lax.axis_index("s") * NC + lax.axis_index("c")


@functools.partial(
    pl.kernel,
    out_type=jax.ShapeDtypeStruct((NW * HSIZE,), jnp.float32),
    mesh=_mesh,
    compiler_params=_sc_params,
    scratch_types=[
        pltpu.VMEM((EPT,), jnp.int32),
        pltpu.VMEM((EPT,), jnp.int32),
        pltpu.VMEM((HSIZE,), jnp.float32),
    ],
)
def _sc_degrees(src_hbm, dst_hbm, out_hbm, sidx_v, didx_v, hist_v):
    w = _wid()

    pltpu.sync_copy(src_hbm.at[pl.ds(w * EPT, EPT)], sidx_v)
    pltpu.sync_copy(dst_hbm.at[pl.ds(w * EPT, EPT)], didx_v)

    zero16 = jnp.zeros((16,), dtype=jnp.float32)
    one16 = jnp.full((16,), 1.0, dtype=jnp.float32)

    def fill_zero(i, _):
        hist_v[pl.ds(i * 16, 16)] = zero16
        return ()
    lax.fori_loop(0, HSIZE // 16, fill_zero, (), unroll=8)

    def scatter(j, _):
        sl = pl.ds(j * 16, 16)
        sv = sidx_v[sl]
        plsc.addupdate_scatter(hist_v, [sv], one16)
        dv = didx_v[sl]
        plsc.addupdate_scatter(hist_v, [dv + NPAD], one16)
        return ()
    lax.fori_loop(0, EPT // 16, scatter, (), unroll=4)

    pltpu.sync_copy(hist_v, out_hbm.at[pl.ds(w * HSIZE, HSIZE)])


@functools.partial(
    pl.kernel,
    out_type=jax.ShapeDtypeStruct((NC, HALF, D), jnp.float32),
    mesh=_mesh,
    compiler_params=_sc_params,
    scratch_types=[
        pltpu.VMEM((NCHUNK, CHUNK), jnp.int32),
        pltpu.VMEM((NCHUNK, CHUNK), jnp.int32),
        [pltpu.VMEM((CHUNK, D), jnp.float32)] * 2,
        pltpu.VMEM((ZROWS, D), jnp.float32),
        pltpu.VMEM_SHARED((HALF + 8, D), jnp.float32),
        [pltpu.SemaphoreType.DMA] * 2,
    ],
)
def _sc_aggregate(h_hbm, src_hbm, ldx_hbm, out_hbm, sidx_v, ldx_v, rows, z_v,
                  agg_sh, gsem):
    c = lax.axis_index("c")
    s = lax.axis_index("s")

    pltpu.sync_copy(src_hbm.at[s], sidx_v)
    pltpu.sync_copy(ldx_hbm.at[c, s], ldx_v)

    zero16 = jnp.zeros((16,), dtype=jnp.float32)

    def fill_zero(i, _):
        for cc in range(D // 16):
            z_v[i, pl.ds(cc * 16, 16)] = zero16
        return ()
    lax.fori_loop(0, ZROWS, fill_zero, ())

    row0 = s * AGG_PER_TILE

    def zero_chunk(k, _):
        pltpu.sync_copy(z_v, agg_sh.at[pl.ds(row0 + k * ZROWS, ZROWS)])
        return ()
    lax.fori_loop(0, AGG_PER_TILE // ZROWS, zero_chunk, ())

    @pl.when(s == 0)
    def _():
        pltpu.sync_copy(z_v.at[pl.ds(0, 8)], agg_sh.at[pl.ds(HALF, 8)])

    plsc.subcore_barrier()

    def _gather(j, b):
        pltpu.async_copy(h_hbm.at[sidx_v.at[j]], rows[b], gsem[b])

    def _gather_wait(j, b):
        pltpu.make_async_copy(h_hbm.at[sidx_v.at[j]], rows[b], gsem[b]).wait()

    _gather(0, 0)

    def edge_duo(t, _):
        j0 = 2 * t
        _gather(j0 + 1, 1)
        _gather_wait(j0, 0)
        pltpu.sync_copy(rows[0], agg_sh.at[ldx_v.at[j0]], add=True)
        _gather(jnp.minimum(j0 + 2, NCHUNK - 1), 0)
        _gather_wait(j0 + 1, 1)
        pltpu.sync_copy(rows[1], agg_sh.at[ldx_v.at[j0 + 1]], add=True)
        return ()
    lax.fori_loop(0, NCHUNK // 2, edge_duo, ())
    _gather_wait(NCHUNK - 1, 0)
    plsc.subcore_barrier()

    pltpu.sync_copy(agg_sh.at[pl.ds(row0, AGG_PER_TILE)],
                    out_hbm.at[c, pl.ds(row0, AGG_PER_TILE)])


BLK = 512
GRID = NPAD // BLK


def _scale_matmul_body(x_ref, degs_ref, w_ref, o_ref):
    deg = jnp.sum(degs_ref[...], axis=0)
    scale = lax.rsqrt(jnp.maximum(deg, 1.0))
    o_ref[...] = jnp.dot(x_ref[...] * scale, w_ref[...],
                         preferred_element_type=jnp.float32)


def _tc_scale_matmul(feats, degs_col, w):
    return pl.pallas_call(
        _scale_matmul_body,
        grid=(GRID,),
        in_specs=[
            pl.BlockSpec((BLK, D), lambda i: (i, 0)),
            pl.BlockSpec((NW, BLK, 1), lambda i: (0, i, 0)),
            pl.BlockSpec((D, D), lambda i: (0, 0)),
        ],
        out_specs=pl.BlockSpec((BLK, D), lambda i: (i, 0)),
        out_shape=jax.ShapeDtypeStruct((N, D), jnp.float32),
    )(feats, degs_col, w)


def _finalize_body(agg_ref, degd_ref, b_ref, o_ref):
    deg = jnp.sum(degd_ref[...], axis=0)
    scale = lax.rsqrt(jnp.maximum(deg, 1.0))
    o_ref[...] = agg_ref[...] * scale + b_ref[...]


def _tc_finalize(agg, degd_col, b2col):
    return pl.pallas_call(
        _finalize_body,
        grid=(GRID,),
        in_specs=[
            pl.BlockSpec((BLK, D), lambda i: (i, 0)),
            pl.BlockSpec((NW, BLK, 1), lambda i: (0, i, 0)),
            pl.BlockSpec((1, D), lambda i: (0, 0)),
        ],
        out_specs=pl.BlockSpec((BLK, D), lambda i: (i, 0)),
        out_shape=jax.ShapeDtypeStruct((N, D), jnp.float32),
    )(agg, degd_col, b2col)


def kernel(feats, edge_index, W1, b1, W2, b2):
    del W1, b1
    ei = edge_index.astype(jnp.int32)
    src_flat = ei[0]
    dst_flat = ei[1]

    src3 = src_flat.reshape(NS, NCHUNK, CHUNK)
    dst3 = dst_flat.reshape(1, NS, NCHUNK, CHUNK)
    base = jnp.arange(NC, dtype=jnp.int32)[:, None, None, None] * HALF
    loc = dst3 - base
    trash = HALF + (jnp.arange(CHUNK, dtype=jnp.int32) % 8)
    ldx = jnp.where((loc >= 0) & (loc < HALF), loc, trash)

    deg = _sc_degrees(src_flat, dst_flat)
    deg = deg.reshape(NW, 2, NPAD)
    degs_col = deg[:, 0, :, None]
    degd_col = deg[:, 1, :, None]
    h = _tc_scale_matmul(feats, degs_col, W2)
    agg = _sc_aggregate(h, src3, ldx)
    return _tc_finalize(agg.reshape(NPAD, D), degd_col, b2.reshape(1, D))

# --- scband reference (transcript-rebuilt; emitter-appended) ---
"""Pipeline reference for scband-graph-encoder-35287451304799 (READ-ONLY COPY).

The authoritative reference and input builder live on the scoring server;
editing this copy changes nothing except your own understanding.
"""

import jax, jax.numpy as jnp
import numpy as np

N = 10000
E = 320000
D = 128


def setup_inputs(seed: int = 0) -> dict:
    key = jax.random.key(seed)
    k1, k2, k3, k4, k5, k6 = jax.random.split(key, 6)
    feats = jax.random.normal(k1, (N, D), dtype=jnp.float32)
    edge_index = jax.random.randint(k2, (2, E), 0, N)
    scale = 1.0 / np.sqrt(D)
    W1 = jax.random.normal(k3, (D, D), dtype=jnp.float32) * scale
    b1 = jnp.zeros((D,), dtype=jnp.float32)
    W2 = jax.random.normal(k4, (D, D), dtype=jnp.float32) * scale
    b2 = jnp.zeros((D,), dtype=jnp.float32)
    return {"feats": feats, "edge_index": edge_index, "W1": W1, "b1": b1, "W2": W2, "b2": b2}


def _graph_conv(x, src, dst, W, b, apply_relu):
    # DGL GraphConv with norm='both': D_out^{-1/2} A D_in^{-1/2} X W + b
    n = x.shape[0]
    ones = jnp.ones(src.shape[0], dtype=x.dtype)
    deg_out = jnp.maximum(jnp.zeros((n,), dtype=x.dtype).at[src].add(ones), 1.0)
    deg_in = jnp.maximum(jnp.zeros((n,), dtype=x.dtype).at[dst].add(ones), 1.0)
    h = x * (deg_out ** -0.5)[:, None]
    msgs = jnp.take(h, src, axis=0)
    agg = jax.ops.segment_sum(msgs, dst, num_segments=n)
    agg = agg * (deg_in ** -0.5)[:, None]
    out = agg @ W + b
    if apply_relu:
        out = jax.nn.relu(out)
    return out


def reference(feats, edge_index, W1, b1, W2, b2):
    src = edge_index[0]
    dst = edge_index[1]
    embeds = feats
    # layer 0: GraphConv + ReLU (note: original torch code passes `feats`, not `embeds`, to each GraphConv)
    embeds = _graph_conv(feats, src, dst, W1, b1, True)
    # Dropout treated as identity (eval mode)
    # layer 1: GraphConv, no activation
    embeds = _graph_conv(feats, src, dst, W2, b2, False)
    return embeds

if __name__ == "__main__":
    import jax
    _d = setup_inputs()
    print(jax.jit(kernel)(*tuple(_d.values())))

</pallas_src>

<mosaic_0001>
#map = affine_map<(d0, d1) -> (0)>
module attributes {stable_mosaic.version = 14 : i64} {
  func.func @_sc_degrees(%arg0: i32, %arg1: i32, %arg2: memref<320000xi32, #tpu.memory_space<hbm>>, %arg3: memref<320000xi32, #tpu.memory_space<hbm>>, %arg4: memref<655360xf32, #tpu.memory_space<hbm>>, %arg5: memref<10000xi32, #tpu.memory_space<vmem>>, %arg6: memref<10000xi32, #tpu.memory_space<vmem>>, %arg7: memref<20480xf32, #tpu.memory_space<vmem>>) attributes {dimension_semantics = [#tpu.dimension_semantics<core_parallel>, #tpu.dimension_semantics<subcore_parallel>], iteration_bounds = array<i64: 2, 16>, scalar_prefetch = 0 : i64, scratch_operands = 3 : i64, tpu.core_type = #tpu.core_type<sc_vector_subcore>, window_params = [{transform_indices = #map}, {transform_indices = #map}, {transform_indices = #map}]} {
    %mul3A = arith.constant 2 : i32
    %mul3A_0 = arith.muli %arg1, %mul3A : i32
    %add3A = arith.addi %mul3A_0, %arg0 : i32
    %mul3A_1 = arith.constant 10000 : i32
    %mul3A_2 = arith.muli %add3A, %mul3A_1 : i32
    "tpu.region"() ({
      %run_scoped3A = tpu.sem_alloc : memref<!tpu.dma_semaphore, #tpu.memory_space<semaphore_mem>>
      %dma_start3A = tpu.memref_slice %arg2[%mul3A_2] : memref<320000xi32, #tpu.memory_space<hbm>> -> memref<10000xi32, #tpu.memory_space<hbm>>
      %dma_start3A_29 = tpu.memref_slice %arg2[%mul3A_2] : memref<320000xi32, #tpu.memory_space<hbm>> -> memref<10000xi32, #tpu.memory_space<hbm>>
      tpu.enqueue_dma source(%dma_start3A_29 : memref<10000xi32, #tpu.memory_space<hbm>>) target(%arg5 : memref<10000xi32, #tpu.memory_space<vmem>>) target_semaphore(%run_scoped3A : memref<!tpu.dma_semaphore, #tpu.memory_space<semaphore_mem>>)
      %dma_wait3A = tpu.memref_slice %arg2[%mul3A_2] : memref<320000xi32, #tpu.memory_space<hbm>> -> memref<10000xi32, #tpu.memory_space<hbm>>
      %dma_wait3A_30 = tpu.memref_slice %arg2[%mul3A_2] : memref<320000xi32, #tpu.memory_space<hbm>> -> memref<10000xi32, #tpu.memory_space<hbm>>
      tpu.wait_dma2 semaphore(%run_scoped3A : memref<!tpu.dma_semaphore, #tpu.memory_space<semaphore_mem>>) src(%dma_wait3A_30 : memref<10000xi32, #tpu.memory_space<hbm>>) dst(%arg5 : memref<10000xi32, #tpu.memory_space<vmem>>)
      tpu.yield
    }) : () -> ()
    %mul3A_3 = arith.constant 10000 : i32
    %mul3A_4 = arith.muli %add3A, %mul3A_3 : i32
    "tpu.region"() ({
      %run_scoped3A = tpu.sem_alloc : memref<!tpu.dma_semaphore, #tpu.memory_space<semaphore_mem>>
      %dma_start3A = tpu.memref_slice %arg3[%mul3A_4] : memref<320000xi32, #tpu.memory_space<hbm>> -> memref<10000xi32, #tpu.memory_space<hbm>>
      %dma_start3A_29 = tpu.memref_slice %arg3[%mul3A_4] : memref<320000xi32, #tpu.memory_space<hbm>> -> memref<10000xi32, #tpu.memory_space<hbm>>
      tpu.enqueue_dma source(%dma_start3A_29 : memref<10000xi32, #tpu.memory_space<hbm>>) target(%arg6 : memref<10000xi32, #tpu.memory_space<vmem>>) target_semaphore(%run_scoped3A : memref<!tpu.dma_semaphore, #tpu.memory_space<semaphore_mem>>)
      %dma_wait3A = tpu.memref_slice %arg3[%mul3A_4] : memref<320000xi32, #tpu.memory_space<hbm>> -> memref<10000xi32, #tpu.memory_space<hbm>>
      %dma_wait3A_30 = tpu.memref_slice %arg3[%mul3A_4] : memref<320000xi32, #tpu.memory_space<hbm>> -> memref<10000xi32, #tpu.memory_space<hbm>>
      tpu.wait_dma2 semaphore(%run_scoped3A : memref<!tpu.dma_semaphore, #tpu.memory_space<semaphore_mem>>) src(%dma_wait3A_30 : memref<10000xi32, #tpu.memory_space<hbm>>) dst(%arg6 : memref<10000xi32, #tpu.memory_space<vmem>>)
      tpu.yield
    }) : () -> ()
    %broadcast_in_dim3A = arith.constant 0.000000e+00 : f32
    %broadcast_in_dim3A_5 = vector.broadcast %broadcast_in_dim3A : f32 to vector<16xf32>
    %broadcast_in_dim3A_6 = arith.constant 1.000000e+00 : f32
    %broadcast_in_dim3A_7 = vector.broadcast %broadcast_in_dim3A_6 : f32 to vector<16xf32>
    %scan3A = arith.constant 0 : i32
    %scan3A_8 = arith.constant 1280 : i32
    %scan3A_9 = arith.addi %scan3A, %scan3A_8 : i32
    %scan3A_10 = arith.constant 8 : i32
    scf.for %scan3A_29 = %scan3A to %scan3A_9 step %scan3A_10  : i32 {
      %mul3A_30 = arith.constant 16 : i32
      %mul3A_31 = arith.muli %scan3A_29, %mul3A_30 : i32
      %swap3A = arith.index_cast %mul3A_31 : i32 to index
      %swap3A_32 = tpu.vector_load %arg7[%swap3A] {strides = array<i32>} : memref<20480xf32, #tpu.memory_space<vmem>>, vector<16xf32>,
      tpu.vector_store %arg7[%swap3A], %broadcast_in_dim3A_5 {strides = array<i32>} : memref<20480xf32, #tpu.memory_space<vmem>>, vector<16xf32>,
      %scan3A_33 = arith.constant 1 : i32
      %scan3A_34 = arith.addi %scan3A_29, %scan3A_33 : i32
      %mul3A_35 = arith.constant 16 : i32
      %mul3A_36 = arith.muli %scan3A_34, %mul3A_35 : i32
      %swap3A_37 = arith.index_cast %mul3A_36 : i32 to index
      %swap3A_38 = tpu.vector_load %arg7[%swap3A_37] {strides = array<i32>} : memref<20480xf32, #tpu.memory_space<vmem>>, vector<16xf32>,
      tpu.vector_store %arg7[%swap3A_37], %broadcast_in_dim3A_5 {strides = array<i32>} : memref<20480xf32, #tpu.memory_space<vmem>>, vector<16xf32>,
      %scan3A_39 = arith.constant 2 : i32
      %scan3A_40 = arith.addi %scan3A_29, %scan3A_39 : i32
      %mul3A_41 = arith.constant 16 : i32
      %mul3A_42 = arith.muli %scan3A_40, %mul3A_41 : i32
      %swap3A_43 = arith.index_cast %mul3A_42 : i32 to index
      %swap3A_44 = tpu.vector_load %arg7[%swap3A_43] {strides = array<i32>} : memref<20480xf32, #tpu.memory_space<vmem>>, vector<16xf32>,
      tpu.vector_store %arg7[%swap3A_43], %broadcast_in_dim3A_5 {strides = array<i32>} : memref<20480xf32, #tpu.memory_space<vmem>>, vector<16xf32>,
      %scan3A_45 = arith.constant 3 : i32
      %scan3A_46 = arith.addi %scan3A_29, %scan3A_45 : i32
      %mul3A_47 = arith.constant 16 : i32
      %mul3A_48 = arith.muli %scan3A_46, %mul3A_47 : i32
      %swap3A_49 = arith.index_cast %mul3A_48 : i32 to index
      %swap3A_50 = tpu.vector_load %arg7[%swap3A_49] {strides = array<i32>} : memref<20480xf32, #tpu.memory_space<vmem>>, vector<16xf32>,
      tpu.vector_store %arg7[%swap3A_49], %broadcast_in_dim3A_5 {strides = array<i32>} : memref<20480xf32, #tpu.memory_space<vmem>>, vector<16xf32>,
      %scan3A_51 = arith.constant 4 : i32
      %scan3A_52 = arith.addi %scan3A_29, %scan3A_51 : i32
      %mul3A_53 = arith.constant 16 : i32
      %mul3A_54 = arith.muli %scan3A_52, %mul3A_53 : i32
      %swap3A_55 = arith.index_cast %mul3A_54 : i32 to index
      %swap3A_56 = tpu.vector_load %arg7[%swap3A_55] {strides = array<i32>} : memref<20480xf32, #tpu.memory_space<vmem>>, vector<16xf32>,
      tpu.vector_store %arg7[%swap3A_55], %broadcast_in_dim3A_5 {strides = array<i32>} : memref<20480xf32, #tpu.memory_space<vmem>>, vector<16xf32>,
      %scan3A_57 = arith.constant 5 : i32
      %scan3A_58 = arith.addi %scan3A_29, %scan3A_57 : i32
      %mul3A_59 = arith.constant 16 : i32
      %mul3A_60 = arith.muli %scan3A_58, %mul3A_59 : i32
      %swap3A_61 = arith.index_cast %mul3A_60 : i32 to index
      %swap3A_62 = tpu.vector_load %arg7[%swap3A_61] {strides = array<i32>} : memref<20480xf32, #tpu.memory_space<vmem>>, vector<16xf32>,
      tpu.vector_store %arg7[%swap3A_61], %broadcast_in_dim3A_5 {strides = array<i32>} : memref<20480xf32, #tpu.memory_space<vmem>>, vector<16xf32>,
      %scan3A_63 = arith.constant 6 : i32
      %scan3A_64 = arith.addi %scan3A_29, %scan3A_63 : i32
      %mul3A_65 = arith.constant 16 : i32
      %mul3A_66 = arith.muli %scan3A_64, %mul3A_65 : i32
      %swap3A_67 = arith.index_cast %mul3A_66 : i32 to index
      %swap3A_68 = tpu.vector_load %arg7[%swap3A_67] {strides = array<i32>} : memref<20480xf32, #tpu.memory_space<vmem>>, vector<16xf32>,
      tpu.vector_store %arg7[%swap3A_67], %broadcast_in_dim3A_5 {strides = array<i32>} : memref<20480xf32, #tpu.memory_space<vmem>>, vector<16xf32>,
      %scan3A_69 = arith.constant 7 : i32
      %scan3A_70 = arith.addi %scan3A_29, %scan3A_69 : i32
      %mul3A_71 = arith.constant 16 : i32
      %mul3A_72 = arith.muli %scan3A_70, %mul3A_71 : i32
      %swap3A_73 = arith.index_cast %mul3A_72 : i32 to index
      %swap3A_74 = tpu.vector_load %arg7[%swap3A_73] {strides = array<i32>} : memref<20480xf32, #tpu.memory_space<vmem>>, vector<16xf32>,
      tpu.vector_store %arg7[%swap3A_73], %broadcast_in_dim3A_5 {strides = array<i32>} : memref<20480xf32, #tpu.memory_space<vmem>>, vector<16xf32>,
    }
    %scan3A_11 = arith.constant 1280 : i32
    %scan3A_12 = arith.constant 0 : i32
    %scan3A_13 = arith.constant 624 : i32
    %scan3A_14 = arith.addi %scan3A_12, %scan3A_13 : i32
    %scan3A_15 = arith.constant 4 : i32
    scf.for %scan3A_29 = %scan3A_12 to %scan3A_14 step %scan3A_15  : i32 {
      %mul3A_30 = arith.constant 16 : i32
      %mul3A_31 = arith.muli %scan3A_29, %mul3A_30 : i32
      %get3A_32 = arith.index_cast %mul3A_31 : i32 to index
      %get3A_33 = tpu.vector_load %arg5[%get3A_32] {strides = array<i32>} : memref<10000xi32, #tpu.memory_space<vmem>>, vector<16xi32>,
      tpu.vector_store_idx %arg7[%get3A_33], %broadcast_in_dim3A_7 {add = true} : memref<20480xf32, #tpu.memory_space<vmem>>[vector<16xi32>], vector<16xf32>,
      %get3A_34 = arith.index_cast %mul3A_31 : i32 to index
      %get3A_35 = tpu.vector_load %arg6[%get3A_34] {strides = array<i32>} : memref<10000xi32, #tpu.memory_space<vmem>>, vector<16xi32>,
      %add3A_36 = arith.constant 10240 : i32
      %add3A_37 = vector.broadcast %add3A_36 : i32 to vector<16xi32>
      %add3A_38 = arith.addi %get3A_35, %add3A_37 : vector<16xi32>
      tpu.vector_store_idx %arg7[%add3A_38], %broadcast_in_dim3A_7 {add = true} : memref<20480xf32, #tpu.memory_space<vmem>>[vector<16xi32>], vector<16xf32>,
      %scan3A_39 = arith.constant 1 : i32
      %scan3A_40 = arith.addi %scan3A_29, %scan3A_39 : i32
      %mul3A_41 = arith.constant 16 : i32
      %mul3A_42 = arith.muli %scan3A_40, %mul3A_41 : i32
      %get3A_43 = arith.index_cast %mul3A_42 : i32 to index
      %get3A_44 = tpu.vector_load %arg5[%get3A_43] {strides = array<i32>} : memref<10000xi32, #tpu.memory_space<vmem>>, vector<16xi32>,
      tpu.vector_store_idx %arg7[%get3A_44], %broadcast_in_dim3A_7 {add = true} : memref<20480xf32, #tpu.memory_space<vmem>>[vector<16xi32>], vector<16xf32>,
      %get3A_45 = arith.index_cast %mul3A_42 : i32 to index
      %get3A_46 = tpu.vector_load %arg6[%get3A_45] {strides = array<i32>} : memref<10000xi32, #tpu.memory_space<vmem>>, vector<16xi32>,
      %add3A_47 = arith.constant 10240 : i32
      %add3A_48 = vector.broadcast %add3A_47 : i32 to vector<16xi32>
      %add3A_49 = arith.addi %get3A_46, %add3A_48 : vector<16xi32>
      tpu.vector_store_idx %arg7[%add3A_49], %broadcast_in_dim3A_7 {add = true} : memref<20480xf32, #tpu.memory_space<vmem>>[vector<16xi32>], vector<16xf32>,
      %scan3A_50 = arith.constant 2 : i32
      %scan3A_51 = arith.addi %scan3A_29, %scan3A_50 : i32
      %mul3A_52 = arith.constant 16 : i32
      %mul3A_53 = arith.muli %scan3A_51, %mul3A_52 : i32
      %get3A_54 = arith.index_cast %mul3A_53 : i32 to index
      %get3A_55 = tpu.vector_load %arg5[%get3A_54] {strides = array<i32>} : memref<10000xi32, #tpu.memory_space<vmem>>, vector<16xi32>,
      tpu.vector_store_idx %arg7[%get3A_55], %broadcast_in_dim3A_7 {add = true} : memref<20480xf32, #tpu.memory_space<vmem>>[vector<16xi32>], vector<16xf32>,
      %get3A_56 = arith.index_cast %mul3A_53 : i32 to index
      %get3A_57 = tpu.vector_load %arg6[%get3A_56] {strides = array<i32>} : memref<10000xi32, #tpu.memory_space<vmem>>, vector<16xi32>,
      %add3A_58 = arith.constant 10240 : i32
      %add3A_59 = vector.broadcast %add3A_58 : i32 to vector<16xi32>
      %add3A_60 = arith.addi %get3A_57, %add3A_59 : vector<16xi32>
      tpu.vector_store_idx %arg7[%add3A_60], %broadcast_in_dim3A_7 {add = true} : memref<20480xf32, #tpu.memory_space<vmem>>[vector<16xi32>], vector<16xf32>,
      %scan3A_61 = arith.constant 3 : i32
      %scan3A_62 = arith.addi %scan3A_29, %scan3A_61 : i32
      %mul3A_63 = arith.constant 16 : i32
      %mul3A_64 = arith.muli %scan3A_62, %mul3A_63 : i32
      %get3A_65 = arith.index_cast %mul3A_64 : i32 to index
      %get3A_66 = tpu.vector_load %arg5[%get3A_65] {strides = array<i32>} : memref<10000xi32, #tpu.memory_space<vmem>>, vector<16xi32>,
      tpu.vector_store_idx %arg7[%get3A_66], %broadcast_in_dim3A_7 {add = true} : memref<20480xf32, #tpu.memory_space<vmem>>[vector<16xi32>], vector<16xf32>,
      %get3A_67 = arith.index_cast %mul3A_64 : i32 to index
      %get3A_68 = tpu.vector_load %arg6[%get3A_67] {strides = array<i32>} : memref<10000xi32, #tpu.memory_space<vmem>>, vector<16xi32>,
      %add3A_69 = arith.constant 10240 : i32
      %add3A_70 = vector.broadcast %add3A_69 : i32 to vector<16xi32>
      %add3A_71 = arith.addi %get3A_68, %add3A_70 : vector<16xi32>
      tpu.vector_store_idx %arg7[%add3A_71], %broadcast_in_dim3A_7 {add = true} : memref<20480xf32, #tpu.memory_space<vmem>>[vector<16xi32>], vector<16xf32>,
    }
    %scan3A_16 = arith.constant 624 : i32
    %scan3A_17 = arith.addi %scan3A_12, %scan3A_16 : i32
    %mul3A_18 = arith.constant 16 : i32
    %mul3A_19 = arith.muli %scan3A_17, %mul3A_18 : i32
    %get3A = arith.index_cast %mul3A_19 : i32 to index
    %get3A_20 = tpu.vector_load %arg5[%get3A] {strides = array<i32>} : memref<10000xi32, #tpu.memory_space<vmem>>, vector<16xi32>,
    tpu.vector_store_idx %arg7[%get3A_20], %broadcast_in_dim3A_7 {add = true} : memref<20480xf32, #tpu.memory_space<vmem>>[vector<16xi32>], vector<16xf32>,
    %get3A_21 = arith.index_cast %mul3A_19 : i32 to index
    %get3A_22 = tpu.vector_load %arg6[%get3A_21] {strides = array<i32>} : memref<10000xi32, #tpu.memory_space<vmem>>, vector<16xi32>,
    %add3A_23 = arith.constant 10240 : i32
    %add3A_24 = vector.broadcast %add3A_23 : i32 to vector<16xi32>
    %add3A_25 = arith.addi %get3A_22, %add3A_24 : vector<16xi32>
    tpu.vector_store_idx %arg7[%add3A_25], %broadcast_in_dim3A_7 {add = true} : memref<20480xf32, #tpu.memory_space<vmem>>[vector<16xi32>], vector<16xf32>,
    %scan3A_26 = arith.constant 625 : i32
    %mul3A_27 = arith.constant 20480 : i32
    %mul3A_28 = arith.muli %add3A, %mul3A_27 : i32
    "tpu.region"() ({
      %run_scoped3A = tpu.sem_alloc : memref<!tpu.dma_semaphore, #tpu.memory_space<semaphore_mem>>
      %dma_start3A = tpu.memref_slice %arg4[%mul3A_28] : memref<655360xf32, #tpu.memory_space<hbm>> -> memref<20480xf32, #tpu.memory_space<hbm>>
      %dma_start3A_29 = tpu.memref_slice %arg4[%mul3A_28] : memref<655360xf32, #tpu.memory_space<hbm>> -> memref<20480xf32, #tpu.memory_space<hbm>>
      tpu.enqueue_dma source(%arg7 : memref<20480xf32, #tpu.memory_space<vmem>>) target(%dma_start3A_29 : memref<20480xf32, #tpu.memory_space<hbm>>) target_semaphore(%run_scoped3A : memref<!tpu.dma_semaphore, #tpu.memory_space<semaphore_mem>>)
      %dma_wait3A = tpu.memref_slice %arg4[%mul3A_28] : memref<655360xf32, #tpu.memory_space<hbm>> -> memref<20480xf32, #tpu.memory_space<hbm>>
      %dma_wait3A_30 = tpu.memref_slice %arg4[%mul3A_28] : memref<655360xf32, #tpu.memory_space<hbm>> -> memref<20480xf32, #tpu.memory_space<hbm>>
      tpu.wait_dma2 semaphore(%run_scoped3A : memref<!tpu.dma_semaphore, #tpu.memory_space<semaphore_mem>>) src(%arg7 : memref<20480xf32, #tpu.memory_space<vmem>>) dst(%dma_wait3A_30 : memref<20480xf32, #tpu.memory_space<hbm>>)
      tpu.yield
    }) : () -> ()
    return
  }
}

#map = affine_map<(d0, d1) -> (0, 0)>
#map1 = affine_map<(d0, d1) -> (0, 0, 0)>
#map2 = affine_map<(d0, d1) -> (0, 0, 0, 0)>
module attributes {stable_mosaic.version = 14 : i64} {
  func.func @_sc_aggregate(%arg0: i32, %arg1: i32, %arg2: memref<10000x128xf32, #tpu.memory_space<hbm>>, %arg3: memref<16x160x125xi32, #tpu.memory_space<hbm>>, %arg4: memref<2x16x160x125xi32, #tpu.memory_space<hbm>>, %arg5: memref<2x5120x128xf32, #tpu.memory_space<hbm>>, %arg6: memref<160x125xi32, #tpu.memory_space<vmem>>, %arg7: memref<160x125xi32, #tpu.memory_space<vmem>>, %arg8: memref<125x128xf32, #tpu.memory_space<vmem>>, %arg9: memref<125x128xf32, #tpu.memory_space<vmem>>, %arg10: memref<64x128xf32, #tpu.memory_space<vmem>>, %arg11: memref<5128x128xf32, #tpu.memory_space<vmem_shared>>, %arg12: memref<!tpu.dma_semaphore, #tpu.memory_space<semaphore_mem>>, %arg13: memref<!tpu.dma_semaphore, #tpu.memory_space<semaphore_mem>>) attributes {dimension_semantics = [#tpu.dimension_semantics<core_parallel>, #tpu.dimension_semantics<subcore_parallel>], iteration_bounds = array<i64: 2, 16>, scalar_prefetch = 0 : i64, scratch_operands = 8 : i64, tpu.core_type = #tpu.core_type<sc_vector_subcore>, window_params = [{transform_indices = #map}, {transform_indices = #map1}, {transform_indices = #map2}, {transform_indices = #map1}]} {
    "tpu.region"() ({
      %run_scoped3A = tpu.sem_alloc : memref<!tpu.dma_semaphore, #tpu.memory_space<semaphore_mem>>
      %dma_start3A_31 = arith.constant 0 : i32
      %dma_start3A_32 = arith.constant 0 : i32
      %dma_start3A_33 = tpu.memref_slice %arg3[%arg1, %dma_start3A_31, %dma_start3A_32] : memref<16x160x125xi32, #tpu.memory_space<hbm>> -> memref<1x160x125xi32, #tpu.memory_space<hbm>>
      %dma_start3A_34 = tpu.memref_squeeze %dma_start3A_33 : memref<1x160x125xi32, #tpu.memory_space<hbm>> -> memref<160x125xi32, #tpu.memory_space<hbm>>
      %dma_start3A_35 = arith.constant 0 : i32
      %dma_start3A_36 = arith.constant 0 : i32
      %dma_start3A_37 = tpu.memref_slice %arg3[%arg1, %dma_start3A_35, %dma_start3A_36] : memref<16x160x125xi32, #tpu.memory_space<hbm>> -> memref<1x160x125xi32, #tpu.memory_space<hbm>>
      %dma_start3A_38 = tpu.memref_squeeze %dma_start3A_37 : memref<1x160x125xi32, #tpu.memory_space<hbm>> -> memref<160x125xi32, #tpu.memory_space<hbm>>
      tpu.enqueue_dma source(%dma_start3A_38 : memref<160x125xi32, #tpu.memory_space<hbm>>) target(%arg6 : memref<160x125xi32, #tpu.memory_space<vmem>>) target_semaphore(%run_scoped3A : memref<!tpu.dma_semaphore, #tpu.memory_space<semaphore_mem>>)
      %dma_wait3A_39 = arith.constant 0 : i32
      %dma_wait3A_40 = arith.constant 0 : i32
      %dma_wait3A_41 = tpu.memref_slice %arg3[%arg1, %dma_wait3A_39, %dma_wait3A_40] : memref<16x160x125xi32, #tpu.memory_space<hbm>> -> memref<1x160x125xi32, #tpu.memory_space<hbm>>
      %dma_wait3A_42 = tpu.memref_squeeze %dma_wait3A_41 : memref<1x160x125xi32, #tpu.memory_space<hbm>> -> memref<160x125xi32, #tpu.memory_space<hbm>>
      %dma_wait3A_43 = arith.constant 0 : i32
      %dma_wait3A_44 = arith.constant 0 : i32
      %dma_wait3A_45 = tpu.memref_slice %arg3[%arg1, %dma_wait3A_43, %dma_wait3A_44] : memref<16x160x125xi32, #tpu.memory_space<hbm>> -> memref<1x160x125xi32, #tpu.memory_space<hbm>>
      %dma_wait3A_46 = tpu.memref_squeeze %dma_wait3A_45 : memref<1x160x125xi32, #tpu.memory_space<hbm>> -> memref<160x125xi32, #tpu.memory_space<hbm>>
      tpu.wait_dma2 semaphore(%run_scoped3A : memref<!tpu.dma_semaphore, #tpu.memory_space<semaphore_mem>>) src(%dma_wait3A_46 : memref<160x125xi32, #tpu.memory_space<hbm>>) dst(%arg6 : memref<160x125xi32, #tpu.memory_space<vmem>>)
      tpu.yield
    }) : () -> ()
    "tpu.region"() ({
      %run_scoped3A = tpu.sem_alloc : memref<!tpu.dma_semaphore, #tpu.memory_space<semaphore_mem>>
      %dma_start3A_31 = arith.constant 0 : i32
      %dma_start3A_32 = arith.constant 0 : i32
      %dma_start3A_33 = tpu.memref_slice %arg4[%arg0, %arg1, %dma_start3A_31, %dma_start3A_32] : memref<2x16x160x125xi32, #tpu.memory_space<hbm>> -> memref<1x1x160x125xi32, #tpu.memory_space<hbm>>
      %dma_start3A_34 = tpu.memref_squeeze %dma_start3A_33 : memref<1x1x160x125xi32, #tpu.memory_space<hbm>> -> memref<160x125xi32, #tpu.memory_space<hbm>>
      %dma_start3A_35 = arith.constant 0 : i32
      %dma_start3A_36 = arith.constant 0 : i32
      %dma_start3A_37 = tpu.memref_slice %arg4[%arg0, %arg1, %dma_start3A_35, %dma_start3A_36] : memref<2x16x160x125xi32, #tpu.memory_space<hbm>> -> memref<1x1x160x125xi32, #tpu.memory_space<hbm>>
      %dma_start3A_38 = tpu.memref_squeeze %dma_start3A_37 : memref<1x1x160x125xi32, #tpu.memory_space<hbm>> -> memref<160x125xi32, #tpu.memory_space<hbm>>
      tpu.enqueue_dma source(%dma_start3A_38 : memref<160x125xi32, #tpu.memory_space<hbm>>) target(%arg7 : memref<160x125xi32, #tpu.memory_space<vmem>>) target_semaphore(%run_scoped3A : memref<!tpu.dma_semaphore, #tpu.memory_space<semaphore_mem>>)
      %dma_wait3A_39 = arith.constant 0 : i32
      %dma_wait3A_40 = arith.constant 0 : i32
      %dma_wait3A_41 = tpu.memref_slice %arg4[%arg0, %arg1, %dma_wait3A_39, %dma_wait3A_40] : memref<2x16x160x125xi32, #tpu.memory_space<hbm>> -> memref<1x1x160x125xi32, #tpu.memory_space<hbm>>
      %dma_wait3A_42 = tpu.memref_squeeze %dma_wait3A_41 : memref<1x1x160x125xi32, #tpu.memory_space<hbm>> -> memref<160x125xi32, #tpu.memory_space<hbm>>
      %dma_wait3A_43 = arith.constant 0 : i32
      %dma_wait3A_44 = arith.constant 0 : i32
      %dma_wait3A_45 = tpu.memref_slice %arg4[%arg0, %arg1, %dma_wait3A_43, %dma_wait3A_44] : memref<2x16x160x125xi32, #tpu.memory_space<hbm>> -> memref<1x1x160x125xi32, #tpu.memory_space<hbm>>
      %dma_wait3A_46 = tpu.memref_squeeze %dma_wait3A_45 : memref<1x1x160x125xi32, #tpu.memory_space<hbm>> -> memref<160x125xi32, #tpu.memory_space<hbm>>
      tpu.wait_dma2 semaphore(%run_scoped3A : memref<!tpu.dma_semaphore, #tpu.memory_space<semaphore_mem>>) src(%dma_wait3A_46 : memref<160x125xi32, #tpu.memory_space<hbm>>) dst(%arg7 : memref<160x125xi32, #tpu.memory_space<vmem>>)
      tpu.yield
    }) : () -> ()
    %broadcast_in_dim3A = arith.constant 0.000000e+00 : f32
    %broadcast_in_dim3A_0 = vector.broadcast %broadcast_in_dim3A : f32 to vector<16xf32>
    %scan3A = arith.constant 0 : i32
    %scan3A_1 = arith.constant 64 : i32
    %scan3A_2 = arith.addi %scan3A, %scan3A_1 : i32
    %scan3A_3 = arith.constant 1 : i32
    scf.for %scan3A_31 = %scan3A to %scan3A_2 step %scan3A_3  : i32 {
      %swap3A = arith.index_cast %scan3A_31 : i32 to index
      %swap3A_32 = arith.constant 0 : index
      %swap3A_33 = tpu.vector_load %arg10[%swap3A, %swap3A_32] {strides = array<i32>} : memref<64x128xf32, #tpu.memory_space<vmem>>, vector<16xf32>,
      tpu.vector_store %arg10[%swap3A, %swap3A_32], %broadcast_in_dim3A_0 {strides = array<i32>} : memref<64x128xf32, #tpu.memory_space<vmem>>, vector<16xf32>,
      %swap3A_34 = arith.index_cast %scan3A_31 : i32 to index
      %swap3A_35 = arith.constant 16 : index
      %swap3A_36 = tpu.vector_load %arg10[%swap3A_34, %swap3A_35] {strides = array<i32>} : memref<64x128xf32, #tpu.memory_space<vmem>>, vector<16xf32>,
      tpu.vector_store %arg10[%swap3A_34, %swap3A_35], %broadcast_in_dim3A_0 {strides = array<i32>} : memref<64x128xf32, #tpu.memory_space<vmem>>, vector<16xf32>,
      %swap3A_37 = arith.index_cast %scan3A_31 : i32 to index
      %swap3A_38 = arith.constant 32 : index
      %swap3A_39 = tpu.vector_load %arg10[%swap3A_37, %swap3A_38] {strides = array<i32>} : memref<64x128xf32, #tpu.memory_space<vmem>>, vector<16xf32>,
      tpu.vector_store %arg10[%swap3A_37, %swap3A_38], %broadcast_in_dim3A_0 {strides = array<i32>} : memref<64x128xf32, #tpu.memory_space<vmem>>, vector<16xf32>,
      %swap3A_40 = arith.index_cast %scan3A_31 : i32 to index
      %swap3A_41 = arith.constant 48 : index
      %swap3A_42 = tpu.vector_load %arg10[%swap3A_40, %swap3A_41] {strides = array<i32>} : memref<64x128xf32, #tpu.memory_space<vmem>>, vector<16xf32>,
      tpu.vector_store %arg10[%swap3A_40, %swap3A_41], %broadcast_in_dim3A_0 {strides = array<i32>} : memref<64x128xf32, #tpu.memory_space<vmem>>, vector<16xf32>,
      %swap3A_43 = arith.index_cast %scan3A_31 : i32 to index
      %swap3A_44 = arith.constant 64 : index
      %swap3A_45 = tpu.vector_load %arg10[%swap3A_43, %swap3A_44] {strides = array<i32>} : memref<64x128xf32, #tpu.memory_space<vmem>>, vector<16xf32>,
      tpu.vector_store %arg10[%swap3A_43, %swap3A_44], %broadcast_in_dim3A_0 {strides = array<i32>} : memref<64x128xf32, #tpu.memory_space<vmem>>, vector<16xf32>,
      %swap3A_46 = arith.index_cast %scan3A_31 : i32 to index
      %swap3A_47 = arith.constant 80 : index
      %swap3A_48 = tpu.vector_load %arg10[%swap3A_46, %swap3A_47] {strides = array<i32>} : memref<64x128xf32, #tpu.memory_space<vmem>>, vector<16xf32>,
      tpu.vector_store %arg10[%swap3A_46, %swap3A_47], %broadcast_in_dim3A_0 {strides = array<i32>} : memref<64x128xf32, #tpu.memory_space<vmem>>, vector<16xf32>,
      %swap3A_49 = arith.index_cast %scan3A_31 : i32 to index
      %swap3A_50 = arith.constant 96 : index
      %swap3A_51 = tpu.vector_load %arg10[%swap3A_49, %swap3A_50] {strides = array<i32>} : memref<64x128xf32, #tpu.memory_space<vmem>>, vector<16xf32>,
      tpu.vector_store %arg10[%swap3A_49, %swap3A_50], %broadcast_in_dim3A_0 {strides = array<i32>} : memref<64x128xf32, #tpu.memory_space<vmem>>, vector<16xf32>,
      %swap3A_52 = arith.index_cast %scan3A_31 : i32 to index
      %swap3A_53 = arith.constant 112 : index
      %swap3A_54 = tpu.vector_load %arg10[%swap3A_52, %swap3A_53] {strides = array<i32>} : memref<64x128xf32, #tpu.memory_space<vmem>>, vector<16xf32>,
      tpu.vector_store %arg10[%swap3A_52, %swap3A_53], %broadcast_in_dim3A_0 {strides = array<i32>} : memref<64x128xf32, #tpu.memory_space<vmem>>, vector<16xf32>,
    }
    %scan3A_4 = arith.constant 64 : i32
    %mul3A = arith.constant 320 : i32
    %mul3A_5 = arith.muli %arg1, %mul3A : i32
    %scan3A_6 = arith.constant 0 : i32
    %scan3A_7 = arith.constant 5 : i32
    %scan3A_8 = arith.addi %scan3A_6, %scan3A_7 : i32
    %scan3A_9 = arith.constant 1 : i32
    scf.for %scan3A_31 = %scan3A_6 to %scan3A_8 step %scan3A_9  : i32 {
      %mul3A_32 = arith.constant 64 : i32
      %mul3A_33 = arith.muli %scan3A_31, %mul3A_32 : i32
      %add3A = arith.addi %mul3A_5, %mul3A_33 : i32
      "tpu.region"() ({
        %run_scoped3A = tpu.sem_alloc : memref<!tpu.dma_semaphore, #tpu.memory_space<semaphore_mem>>
        %dma_start3A_34 = arith.constant 0 : i32
        %dma_start3A_35 = tpu.memref_slice %arg11[%add3A, %dma_start3A_34] : memref<5128x128xf32, #tpu.memory_space<vmem_shared>> -> memref<64x128xf32, #tpu.memory_space<vmem_shared>>
        %dma_start3A_36 = arith.constant 0 : i32
        %dma_start3A_37 = tpu.memref_slice %arg11[%add3A, %dma_start3A_36] : memref<5128x128xf32, #tpu.memory_space<vmem_shared>> -> memref<64x128xf32, #tpu.memory_space<vmem_shared>>
        tpu.enqueue_dma source(%arg10 : memref<64x128xf32, #tpu.memory_space<vmem>>) target(%dma_start3A_37 : memref<64x128xf32, #tpu.memory_space<vmem_shared>>) target_semaphore(%run_scoped3A : memref<!tpu.dma_semaphore, #tpu.memory_space<semaphore_mem>>)
        %dma_wait3A_38 = arith.constant 0 : i32
        %dma_wait3A_39 = tpu.memref_slice %arg11[%add3A, %dma_wait3A_38] : memref<5128x128xf32, #tpu.memory_space<vmem_shared>> -> memref<64x128xf32, #tpu.memory_space<vmem_shared>>
        %dma_wait3A_40 = arith.constant 0 : i32
        %dma_wait3A_41 = tpu.memref_slice %arg11[%add3A, %dma_wait3A_40] : memref<5128x128xf32, #tpu.memory_space<vmem_shared>> -> memref<64x128xf32, #tpu.memory_space<vmem_shared>>
        tpu.wait_dma2 semaphore(%run_scoped3A : memref<!tpu.dma_semaphore, #tpu.memory_space<semaphore_mem>>) src(%arg10 : memref<64x128xf32, #tpu.memory_space<vmem>>) dst(%dma_wait3A_41 : memref<64x128xf32, #tpu.memory_space<vmem_shared>>)
        tpu.yield
      }) : () -> ()
    }
    %scan3A_10 = arith.constant 5 : i32
    %eq3A = arith.constant 0 : i32
    %eq3A_11 = arith.cmpi eq, %arg1, %eq3A : i32
    %convert_element_type3A = arith.extui %eq3A_11 : i1 to i32
    %cond3A = arith.constant 0 : i32
    %cond3A_12 = arith.cmpi ne, %convert_element_type3A, %cond3A : i32
    scf.if %cond3A_12 {
      "tpu.region"() ({
        %run_scoped3A = tpu.sem_alloc : memref<!tpu.dma_semaphore, #tpu.memory_space<semaphore_mem>>
        %dma_start3A_31 = arith.constant 0 : i32
        %dma_start3A_32 = arith.constant 0 : i32
        %dma_start3A_33 = tpu.memref_slice %arg10[%dma_start3A_31, %dma_start3A_32] : memref<64x128xf32, #tpu.memory_space<vmem>> -> memref<8x128xf32, #tpu.memory_space<vmem>>
        %dma_start3A_34 = arith.constant 5120 : i32
        %dma_start3A_35 = arith.constant 0 : i32
        %dma_start3A_36 = tpu.memref_slice %arg11[%dma_start3A_34, %dma_start3A_35] : memref<5128x128xf32, #tpu.memory_space<vmem_shared>> -> memref<8x128xf32, #tpu.memory_space<vmem_shared>>
        %dma_start3A_37 = arith.constant 5120 : i32
        %dma_start3A_38 = arith.constant 0 : i32
        %dma_start3A_39 = tpu.memref_slice %arg11[%dma_start3A_37, %dma_start3A_38] : memref<5128x128xf32, #tpu.memory_space<vmem_shared>> -> memref<8x128xf32, #tpu.memory_space<vmem_shared>>
        %dma_start3A_40 = arith.constant 0 : i32
        %dma_start3A_41 = arith.constant 0 : i32
        %dma_start3A_42 = tpu.memref_slice %arg10[%dma_start3A_40, %dma_start3A_41] : memref<64x128xf32, #tpu.memory_space<vmem>> -> memref<8x128xf32, #tpu.memory_space<vmem>>
        tpu.enqueue_dma source(%dma_start3A_42 : memref<8x128xf32, #tpu.memory_space<vmem>>) target(%dma_start3A_39 : memref<8x128xf32, #tpu.memory_space<vmem_shared>>) target_semaphore(%run_scoped3A : memref<!tpu.dma_semaphore, #tpu.memory_space<semaphore_mem>>)
        %dma_wait3A_43 = arith.constant 0 : i32
        %dma_wait3A_44 = arith.constant 0 : i32
        %dma_wait3A_45 = tpu.memref_slice %arg10[%dma_wait3A_43, %dma_wait3A_44] : memref<64x128xf32, #tpu.memory_space<vmem>> -> memref<8x128xf32, #tpu.memory_space<vmem>>
        %dma_wait3A_46 = arith.constant 5120 : i32
        %dma_wait3A_47 = arith.constant 0 : i32
        %dma_wait3A_48 = tpu.memref_slice %arg11[%dma_wait3A_46, %dma_wait3A_47] : memref<5128x128xf32, #tpu.memory_space<vmem_shared>> -> memref<8x128xf32, #tpu.memory_space<vmem_shared>>
        %dma_wait3A_49 = arith.constant 5120 : i32
        %dma_wait3A_50 = arith.constant 0 : i32
        %dma_wait3A_51 = tpu.memref_slice %arg11[%dma_wait3A_49, %dma_wait3A_50] : memref<5128x128xf32, #tpu.memory_space<vmem_shared>> -> memref<8x128xf32, #tpu.memory_space<vmem_shared>>
        %dma_wait3A_52 = arith.constant 0 : i32
        %dma_wait3A_53 = arith.constant 0 : i32
        %dma_wait3A_54 = tpu.memref_slice %arg10[%dma_wait3A_52, %dma_wait3A_53] : memref<64x128xf32, #tpu.memory_space<vmem>> -> memref<8x128xf32, #tpu.memory_space<vmem>>
        tpu.wait_dma2 semaphore(%run_scoped3A : memref<!tpu.dma_semaphore, #tpu.memory_space<semaphore_mem>>) src(%dma_wait3A_54 : memref<8x128xf32, #tpu.memory_space<vmem>>) dst(%dma_wait3A_51 : memref<8x128xf32, #tpu.memory_space<vmem_shared>>)
        tpu.yield
      }) : () -> ()
    } else {
    }
    %barrier3A = arith.constant 0 : index
    tpu.barrier barrier_id(%barrier3A)
    %dma_start3A = arith.constant 0 : i32
    %dma_start3A_13 = arith.constant 0 : i32
    %dma_start3A_14 = tpu.memref_slice %arg6[%dma_start3A, %dma_start3A_13] : memref<160x125xi32, #tpu.memory_space<vmem>> -> memref<1x125xi32, #tpu.memory_space<vmem>>
    %dma_start3A_15 = tpu.memref_squeeze %dma_start3A_14 : memref<1x125xi32, #tpu.memory_space<vmem>> -> memref<125xi32, #tpu.memory_space<vmem>>
    %dma_start3A_16 = arith.constant 0 : i32
    %dma_start3A_17 = arith.constant 0 : i32
    %dma_start3A_18 = tpu.memref_slice %arg2[%dma_start3A_16, %dma_start3A_17] : memref<10000x128xf32, #tpu.memory_space<hbm>> -> memref<10000x128xf32, #tpu.memory_space<hbm>>
    tpu.enqueue_indirect_dma source(%dma_start3A_18 : memref<10000x128xf32, #tpu.memory_space<hbm>>) target(%arg8 : memref<125x128xf32, #tpu.memory_space<vmem>>) offsets(%dma_start3A_15 : memref<125xi32, #tpu.memory_space<vmem>>) semaphore(%arg12 : memref<!tpu.dma_semaphore, #tpu.memory_space<semaphore_mem>>)
    %scan3A_19 = arith.constant 0 : i32
    %scan3A_20 = arith.constant 80 : i32
    %scan3A_21 = arith.addi %scan3A_19, %scan3A_20 : i32
    %scan3A_22 = arith.constant 1 : i32
    scf.for %scan3A_31 = %scan3A_19 to %scan3A_21 step %scan3A_22  : i32 {
      %mul3A_32 = arith.constant 2 : i32
      %mul3A_33 = arith.muli %mul3A_32, %scan3A_31 : i32
      %add3A = arith.constant 1 : i32
      %add3A_34 = arith.addi %mul3A_33, %add3A : i32
      %dma_start3A_35 = arith.constant 0 : i32
      %dma_start3A_36 = tpu.memref_slice %arg6[%add3A_34, %dma_start3A_35] : memref<160x125xi32, #tpu.memory_space<vmem>> -> memref<1x125xi32, #tpu.memory_space<vmem>>
      %dma_start3A_37 = tpu.memref_squeeze %dma_start3A_36 : memref<1x125xi32, #tpu.memory_space<vmem>> -> memref<125xi32, #tpu.memory_space<vmem>>
      %dma_start3A_38 = arith.constant 0 : i32
      %dma_start3A_39 = arith.constant 0 : i32
      %dma_start3A_40 = tpu.memref_slice %arg2[%dma_start3A_38, %dma_start3A_39] : memref<10000x128xf32, #tpu.memory_space<hbm>> -> memref<10000x128xf32, #tpu.memory_space<hbm>>
      tpu.enqueue_indirect_dma source(%dma_start3A_40 : memref<10000x128xf32, #tpu.memory_space<hbm>>) target(%arg9 : memref<125x128xf32, #tpu.memory_space<vmem>>) offsets(%dma_start3A_37 : memref<125xi32, #tpu.memory_space<vmem>>) semaphore(%arg13 : memref<!tpu.dma_semaphore, #tpu.memory_space<semaphore_mem>>)
      %dma_wait3A_41 = arith.constant 0 : i32
      %dma_wait3A_42 = tpu.memref_slice %arg6[%mul3A_33, %dma_wait3A_41] : memref<160x125xi32, #tpu.memory_space<vmem>> -> memref<1x125xi32, #tpu.memory_space<vmem>>
      %dma_wait3A_43 = tpu.memref_squeeze %dma_wait3A_42 : memref<1x125xi32, #tpu.memory_space<vmem>> -> memref<125xi32, #tpu.memory_space<vmem>>
      %dma_wait3A_44 = arith.constant 0 : i32
      %dma_wait3A_45 = arith.constant 0 : i32
      %dma_wait3A_46 = tpu.memref_slice %arg2[%dma_wait3A_44, %dma_wait3A_45] : memref<10000x128xf32, #tpu.memory_space<hbm>> -> memref<10000x128xf32, #tpu.memory_space<hbm>>
      tpu.wait_indirect_dma semaphore(%arg12 : memref<!tpu.dma_semaphore, #tpu.memory_space<semaphore_mem>>) src(%dma_wait3A_46 : memref<10000x128xf32, #tpu.memory_space<hbm>>) dst(%arg8 : memref<125x128xf32, #tpu.memory_space<vmem>>)
      "tpu.region"() ({
        %run_scoped3A = tpu.sem_alloc : memref<!tpu.dma_semaphore, #tpu.memory_space<semaphore_mem>>
        %dma_start3A_66 = arith.constant 0 : i32
        %dma_start3A_67 = tpu.memref_slice %arg7[%mul3A_33, %dma_start3A_66] : memref<160x125xi32, #tpu.memory_space<vmem>> -> memref<1x125xi32, #tpu.memory_space<vmem>>
        %dma_start3A_68 = tpu.memref_squeeze %dma_start3A_67 : memref<1x125xi32, #tpu.memory_space<vmem>> -> memref<125xi32, #tpu.memory_space<vmem>>
        %dma_start3A_69 = arith.constant 0 : i32
        %dma_start3A_70 = arith.constant 0 : i32
        %dma_start3A_71 = tpu.memref_slice %arg11[%dma_start3A_69, %dma_start3A_70] : memref<5128x128xf32, #tpu.memory_space<vmem_shared>> -> memref<5128x128xf32, #tpu.memory_space<vmem_shared>>
        tpu.enqueue_indirect_dma source(%arg8 : memref<125x128xf32, #tpu.memory_space<vmem>>) target(%dma_start3A_71 : memref<5128x128xf32, #tpu.memory_space<vmem_shared>>) offsets(%dma_start3A_68 : memref<125xi32, #tpu.memory_space<vmem>>) semaphore(%run_scoped3A : memref<!tpu.dma_semaphore, #tpu.memory_space<semaphore_mem>>) {add = true}
        %dma_wait3A_72 = arith.constant 0 : i32
        %dma_wait3A_73 = tpu.memref_slice %arg7[%mul3A_33, %dma_wait3A_72] : memref<160x125xi32, #tpu.memory_space<vmem>> -> memref<1x125xi32, #tpu.memory_space<vmem>>
        %dma_wait3A_74 = tpu.memref_squeeze %dma_wait3A_73 : memref<1x125xi32, #tpu.memory_space<vmem>> -> memref<125xi32, #tpu.memory_space<vmem>>
        %dma_wait3A_75 = arith.constant 0 : i32
        %dma_wait3A_76 = arith.constant 0 : i32
        %dma_wait3A_77 = tpu.memref_slice %arg11[%dma_wait3A_75, %dma_wait3A_76] : memref<5128x128xf32, #tpu.memory_space<vmem_shared>> -> memref<5128x128xf32, #tpu.memory_space<vmem_shared>>
        tpu.wait_indirect_dma semaphore(%run_scoped3A : memref<!tpu.dma_semaphore, #tpu.memory_space<semaphore_mem>>) src(%arg8 : memref<125x128xf32, #tpu.memory_space<vmem>>) dst(%dma_wait3A_77 : memref<5128x128xf32, #tpu.memory_space<vmem_shared>>)
        tpu.yield
      }) : () -> ()
      %add3A_47 = arith.constant 2 : i32
      %add3A_48 = arith.addi %mul3A_33, %add3A_47 : i32
      %min3A = arith.constant 159 : i32
      %min3A_49 = arith.minsi %add3A_48, %min3A : i32
      %dma_start3A_50 = arith.constant 0 : i32
      %dma_start3A_51 = tpu.memref_slice %arg6[%min3A_49, %dma_start3A_50] : memref<160x125xi32, #tpu.memory_space<vmem>> -> memref<1x125xi32, #tpu.memory_space<vmem>>
      %dma_start3A_52 = tpu.memref_squeeze %dma_start3A_51 : memref<1x125xi32, #tpu.memory_space<vmem>> -> memref<125xi32, #tpu.memory_space<vmem>>
      %dma_start3A_53 = arith.constant 0 : i32
      %dma_start3A_54 = arith.constant 0 : i32
      %dma_start3A_55 = tpu.memref_slice %arg2[%dma_start3A_53, %dma_start3A_54] : memref<10000x128xf32, #tpu.memory_space<hbm>> -> memref<10000x128xf32, #tpu.memory_space<hbm>>
      tpu.enqueue_indirect_dma source(%dma_start3A_55 : memref<10000x128xf32, #tpu.memory_space<hbm>>) target(%arg8 : memref<125x128xf32, #tpu.memory_space<vmem>>) offsets(%dma_start3A_52 : memref<125xi32, #tpu.memory_space<vmem>>) semaphore(%arg12 : memref<!tpu.dma_semaphore, #tpu.memory_space<semaphore_mem>>)
      %add3A_56 = arith.constant 1 : i32
      %add3A_57 = arith.addi %mul3A_33, %add3A_56 : i32
      %dma_wait3A_58 = arith.constant 0 : i32
      %dma_wait3A_59 = tpu.memref_slice %arg6[%add3A_57, %dma_wait3A_58] : memref<160x125xi32, #tpu.memory_space<vmem>> -> memref<1x125xi32, #tpu.memory_space<vmem>>
      %dma_wait3A_60 = tpu.memref_squeeze %dma_wait3A_59 : memref<1x125xi32, #tpu.memory_space<vmem>> -> memref<125xi32, #tpu.memory_space<vmem>>
      %dma_wait3A_61 = arith.constant 0 : i32
      %dma_wait3A_62 = arith.constant 0 : i32
      %dma_wait3A_63 = tpu.memref_slice %arg2[%dma_wait3A_61, %dma_wait3A_62] : memref<10000x128xf32, #tpu.memory_space<hbm>> -> memref<10000x128xf32, #tpu.memory_space<hbm>>
      tpu.wait_indirect_dma semaphore(%arg13 : memref<!tpu.dma_semaphore, #tpu.memory_space<semaphore_mem>>) src(%dma_wait3A_63 : memref<10000x128xf32, #tpu.memory_space<hbm>>) dst(%arg9 : memref<125x128xf32, #tpu.memory_space<vmem>>)
      %add3A_64 = arith.constant 1 : i32
      %add3A_65 = arith.addi %mul3A_33, %add3A_64 : i32
      "tpu.region"() ({
        %run_scoped3A = tpu.sem_alloc : memref<!tpu.dma_semaphore, #tpu.memory_space<semaphore_mem>>
        %dma_start3A_66 = arith.constant 0 : i32
        %dma_start3A_67 = tpu.memref_slice %arg7[%add3A_65, %dma_start3A_66] : memref<160x125xi32, #tpu.memory_space<vmem>> -> memref<1x125xi32, #tpu.memory_space<vmem>>
        %dma_start3A_68 = tpu.memref_squeeze %dma_start3A_67 : memref<1x125xi32, #tpu.memory_space<vmem>> -> memref<125xi32, #tpu.memory_space<vmem>>
        %dma_start3A_69 = arith.constant 0 : i32
        %dma_start3A_70 = arith.constant 0 : i32
        %dma_start3A_71 = tpu.memref_slice %arg11[%dma_start3A_69, %dma_start3A_70] : memref<5128x128xf32, #tpu.memory_space<vmem_shared>> -> memref<5128x128xf32, #tpu.memory_space<vmem_shared>>
        tpu.enqueue_indirect_dma source(%arg9 : memref<125x128xf32, #tpu.memory_space<vmem>>) target(%dma_start3A_71 : memref<5128x128xf32, #tpu.memory_space<vmem_shared>>) offsets(%dma_start3A_68 : memref<125xi32, #tpu.memory_space<vmem>>) semaphore(%run_scoped3A : memref<!tpu.dma_semaphore, #tpu.memory_space<semaphore_mem>>) {add = true}
        %dma_wait3A_72 = arith.constant 0 : i32
        %dma_wait3A_73 = tpu.memref_slice %arg7[%add3A_65, %dma_wait3A_72] : memref<160x125xi32, #tpu.memory_space<vmem>> -> memref<1x125xi32, #tpu.memory_space<vmem>>
        %dma_wait3A_74 = tpu.memref_squeeze %dma_wait3A_73 : memref<1x125xi32, #tpu.memory_space<vmem>> -> memref<125xi32, #tpu.memory_space<vmem>>
        %dma_wait3A_75 = arith.constant 0 : i32
        %dma_wait3A_76 = arith.constant 0 : i32
        %dma_wait3A_77 = tpu.memref_slice %arg11[%dma_wait3A_75, %dma_wait3A_76] : memref<5128x128xf32, #tpu.memory_space<vmem_shared>> -> memref<5128x128xf32, #tpu.memory_space<vmem_shared>>
        tpu.wait_indirect_dma semaphore(%run_scoped3A : memref<!tpu.dma_semaphore, #tpu.memory_space<semaphore_mem>>) src(%arg9 : memref<125x128xf32, #tpu.memory_space<vmem>>) dst(%dma_wait3A_77 : memref<5128x128xf32, #tpu.memory_space<vmem_shared>>)
        tpu.yield
      }) : () -> ()
    }
    %scan3A_23 = arith.constant 80 : i32
    %dma_wait3A = arith.constant 159 : i32
    %dma_wait3A_24 = arith.constant 0 : i32
    %dma_wait3A_25 = tpu.memref_slice %arg6[%dma_wait3A, %dma_wait3A_24] : memref<160x125xi32, #tpu.memory_space<vmem>> -> memref<1x125xi32, #tpu.memory_space<vmem>>
    %dma_wait3A_26 = tpu.memref_squeeze %dma_wait3A_25 : memref<1x125xi32, #tpu.memory_space<vmem>> -> memref<125xi32, #tpu.memory_space<vmem>>
    %dma_wait3A_27 = arith.constant 0 : i32
    %dma_wait3A_28 = arith.constant 0 : i32
    %dma_wait3A_29 = tpu.memref_slice %arg2[%dma_wait3A_27, %dma_wait3A_28] : memref<10000x128xf32, #tpu.memory_space<hbm>> -> memref<10000x128xf32, #tpu.memory_space<hbm>>
    tpu.wait_indirect_dma semaphore(%arg12 : memref<!tpu.dma_semaphore, #tpu.memory_space<semaphore_mem>>) src(%dma_wait3A_29 : memref<10000x128xf32, #tpu.memory_space<hbm>>) dst(%arg8 : memref<125x128xf32, #tpu.memory_space<vmem>>)
    %barrier3A_30 = arith.constant 0 : index
    tpu.barrier barrier_id(%barrier3A_30)
    "tpu.region"() ({
      %run_scoped3A = tpu.sem_alloc : memref<!tpu.dma_semaphore, #tpu.memory_space<semaphore_mem>>
      %dma_start3A_31 = arith.constant 0 : i32
      %dma_start3A_32 = tpu.memref_slice %arg5[%arg0, %mul3A_5, %dma_start3A_31] : memref<2x5120x128xf32, #tpu.memory_space<hbm>> -> memref<1x320x128xf32, #tpu.memory_space<hbm>>
      %dma_start3A_33 = tpu.memref_squeeze %dma_start3A_32 : memref<1x320x128xf32, #tpu.memory_space<hbm>> -> memref<320x128xf32, #tpu.memory_space<hbm>>
      %dma_start3A_34 = arith.constant 0 : i32
      %dma_start3A_35 = tpu.memref_slice %arg11[%mul3A_5, %dma_start3A_34] : memref<5128x128xf32, #tpu.memory_space<vmem_shared>> -> memref<320x128xf32, #tpu.memory_space<vmem_shared>>
      tpu.enqueue_dma source(%dma_start3A_35 : memref<320x128xf32, #tpu.memory_space<vmem_shared>>) target(%dma_start3A_33 : memref<320x128xf32, #tpu.memory_space<hbm>>) target_semaphore(%run_scoped3A : memref<!tpu.dma_semaphore, #tpu.memory_space<semaphore_mem>>)
      %dma_wait3A_36 = arith.constant 0 : i32
      %dma_wait3A_37 = tpu.memref_slice %arg5[%arg0, %mul3A_5, %dma_wait3A_36] : memref<2x5120x128xf32, #tpu.memory_space<hbm>> -> memref<1x320x128xf32, #tpu.memory_space<hbm>>
      %dma_wait3A_38 = tpu.memref_squeeze %dma_wait3A_37 : memref<1x320x128xf32, #tpu.memory_space<hbm>> -> memref<320x128xf32, #tpu.memory_space<hbm>>
      %dma_wait3A_39 = arith.constant 0 : i32
      %dma_wait3A_40 = tpu.memref_slice %arg11[%mul3A_5, %dma_wait3A_39] : memref<5128x128xf32, #tpu.memory_space<vmem_shared>> -> memref<320x128xf32, #tpu.memory_space<vmem_shared>>
      tpu.wait_dma2 semaphore(%run_scoped3A : memref<!tpu.dma_semaphore, #tpu.memory_space<semaphore_mem>>) src(%dma_wait3A_40 : memref<320x128xf32, #tpu.memory_space<vmem_shared>>) dst(%dma_wait3A_38 : memref<320x128xf32, #tpu.memory_space<hbm>>)
      tpu.yield
    }) : () -> ()
    return
  }
}

module attributes {stable_mosaic.version = 14 : i64} {
  func.func @_scale_matmul_body(%arg0: i32, %arg1: memref<512x128xf32, #tpu.memory_space<vmem>>, %arg2: memref<32x512x1xf32, #tpu.memory_space<vmem>>, %arg3: memref<128x128xf32, #tpu.memory_space<vmem>>, %arg4: memref<512x128xf32, #tpu.memory_space<vmem>>) attributes {dimension_semantics = [#tpu.dimension_semantics<arbitrary>], iteration_bounds = array<i64: 20>, scalar_prefetch = 0 : i64, scratch_operands = 0 : i64, tpu.core_type = #tpu.core_type<tc>, window_params = [{transform_indices = @transform_0, window_bounds = array<i64: 512, 128>}, {transform_indices = @transform_1, window_bounds = array<i64: 32, 512, 1>}, {pipeline_mode = #tpu.pipeline_mode<synchronous>, transform_indices = @transform_2, window_bounds = array<i64: 128, 128>}, {transform_indices = @transform_3, window_bounds = array<i64: 512, 128>}]} {
    %get3A = arith.constant 0 : index
    %get3A_0 = arith.constant 0 : index
    %get3A_1 = arith.constant 0 : index
    %get3A_2 = vector.load %arg2[%get3A, %get3A_0, %get3A_1] : memref<32x512x1xf32, #tpu.memory_space<vmem>>, vector<32x512x1xf32>
    %reduce_sum3A = arith.constant dense<0.000000e+00> : vector<512x1xf32>
    %reduce_sum3A_3 = vector.multi_reduction <add>, %get3A_2, %reduce_sum3A [0] : vector<32x512x1xf32> to vector<512x1xf32>
    %max3A = arith.constant 1.000000e+00 : f32
    %max3A_4 = vector.broadcast %max3A : f32 to vector<512x1xf32>
    %max3A_5 = arith.maximumf %reduce_sum3A_3, %max3A_4 : vector<512x1xf32>
    %rsqrt3A = math.rsqrt %max3A_5 : vector<512x1xf32>
    %get3A_6 = arith.constant 0 : index
    %get3A_7 = arith.constant 0 : index
    %get3A_8 = vector.load %arg1[%get3A_6, %get3A_7] : memref<512x128xf32, #tpu.memory_space<vmem>>, vector<512x128xf32>
    %mul3A = vector.broadcast %rsqrt3A : vector<512x1xf32> to vector<512x128xf32>
    %mul3A_9 = arith.mulf %get3A_8, %mul3A : vector<512x128xf32>
    %get3A_10 = arith.constant 0 : index
    %get3A_11 = arith.constant 0 : index
    %get3A_12 = vector.load %arg3[%get3A_10, %get3A_11] : memref<128x128xf32, #tpu.memory_space<vmem>>, vector<128x128xf32>
    %dot_general3A = arith.constant dense<0.000000e+00> : vector<512x128xf32>
    %dot_general3A_13 = tpu.matmul %mul3A_9, %get3A_12, %dot_general3A {dimension_numbers = #tpu.dot_dimension_numbers<[1], [0], [0], [1], [0, 0, 1, 1], [], []>, transpose_lhs_hint = false} : vector<512x128xf32>, vector<128x128xf32>, vector<512x128xf32> -> vector<512x128xf32>
    %swap3A = arith.constant 0 : index
    %swap3A_14 = arith.constant 0 : index
    %swap3A_15 = vector.load %arg4[%swap3A, %swap3A_14] : memref<512x128xf32, #tpu.memory_space<vmem>>, vector<512x128xf32>
    tpu.vector_store %arg4[%swap3A, %swap3A_14], %dot_general3A_13 {strides = array<i32>} : memref<512x128xf32, #tpu.memory_space<vmem>>, vector<512x128xf32>,
    return
  }
  func.func @transform_0(%arg0: i32) -> (i32, i32) {
    %c0_i32 = arith.constant 0 : i32
    %c0_i32_0 = arith.constant 0 : i32
    return %arg0, %c0_i32 : i32, i32
  }
  func.func @transform_1(%arg0: i32) -> (i32, i32, i32) {
    %c0_i32 = arith.constant 0 : i32
    %c0_i32_0 = arith.constant 0 : i32
    %c0_i32_1 = arith.constant 0 : i32
    return %c0_i32, %arg0, %c0_i32_0 : i32, i32, i32
  }
  func.func @transform_2(%arg0: i32) -> (i32, i32) {
    %c0_i32 = arith.constant 0 : i32
    %c0_i32_0 = arith.constant 0 : i32
    %c0_i32_1 = arith.constant 0 : i32
    return %c0_i32, %c0_i32_0 : i32, i32
  }
  func.func @transform_3(%arg0: i32) -> (i32, i32) {
    %c0_i32 = arith.constant 0 : i32
    %c0_i32_0 = arith.constant 0 : i32
    return %arg0, %c0_i32 : i32, i32
  }
}

module attributes {stable_mosaic.version = 14 : i64} {
  func.func @_finalize_body(%arg0: i32, %arg1: memref<512x128xf32, #tpu.memory_space<vmem>>, %arg2: memref<32x512x1xf32, #tpu.memory_space<vmem>>, %arg3: memref<1x128xf32, #tpu.memory_space<vmem>>, %arg4: memref<512x128xf32, #tpu.memory_space<vmem>>) attributes {dimension_semantics = [#tpu.dimension_semantics<arbitrary>], iteration_bounds = array<i64: 20>, scalar_prefetch = 0 : i64, scratch_operands = 0 : i64, tpu.core_type = #tpu.core_type<tc>, window_params = [{transform_indices = @transform_0, window_bounds = array<i64: 512, 128>}, {transform_indices = @transform_1, window_bounds = array<i64: 32, 512, 1>}, {pipeline_mode = #tpu.pipeline_mode<synchronous>, transform_indices = @transform_2, window_bounds = array<i64: 1, 128>}, {transform_indices = @transform_3, window_bounds = array<i64: 512, 128>}]} {
    %get3A = arith.constant 0 : index
    %get3A_0 = arith.constant 0 : index
    %get3A_1 = arith.constant 0 : index
    %get3A_2 = vector.load %arg2[%get3A, %get3A_0, %get3A_1] : memref<32x512x1xf32, #tpu.memory_space<vmem>>, vector<32x512x1xf32>
    %reduce_sum3A = arith.constant dense<0.000000e+00> : vector<512x1xf32>
    %reduce_sum3A_3 = vector.multi_reduction <add>, %get3A_2, %reduce_sum3A [0] : vector<32x512x1xf32> to vector<512x1xf32>
    %max3A = arith.constant 1.000000e+00 : f32
    %max3A_4 = vector.broadcast %max3A : f32 to vector<512x1xf32>
    %max3A_5 = arith.maximumf %reduce_sum3A_3, %max3A_4 : vector<512x1xf32>
    %rsqrt3A = math.rsqrt %max3A_5 : vector<512x1xf32>
    %get3A_6 = arith.constant 0 : index
    %get3A_7 = arith.constant 0 : index
    %get3A_8 = vector.load %arg1[%get3A_6, %get3A_7] : memref<512x128xf32, #tpu.memory_space<vmem>>, vector<512x128xf32>
    %mul3A = vector.broadcast %rsqrt3A : vector<512x1xf32> to vector<512x128xf32>
    %mul3A_9 = arith.mulf %get3A_8, %mul3A : vector<512x128xf32>
    %get3A_10 = arith.constant 0 : index
    %get3A_11 = arith.constant 0 : index
    %get3A_12 = vector.load %arg3[%get3A_10, %get3A_11] : memref<1x128xf32, #tpu.memory_space<vmem>>, vector<1x128xf32>
    %add3A = vector.broadcast %get3A_12 : vector<1x128xf32> to vector<512x128xf32>
    %add3A_13 = arith.addf %mul3A_9, %add3A : vector<512x128xf32>
    %swap3A = arith.constant 0 : index
    %swap3A_14 = arith.constant 0 : index
    %swap3A_15 = vector.load %arg4[%swap3A, %swap3A_14] : memref<512x128xf32, #tpu.memory_space<vmem>>, vector<512x128xf32>
    tpu.vector_store %arg4[%swap3A, %swap3A_14], %add3A_13 {strides = array<i32>} : memref<512x128xf32, #tpu.memory_space<vmem>>, vector<512x128xf32>,
    return
  }
  func.func @transform_0(%arg0: i32) -> (i32, i32) {
    %c0_i32 = arith.constant 0 : i32
    %c0_i32_0 = arith.constant 0 : i32
    return %arg0, %c0_i32 : i32, i32
  }
  func.func @transform_1(%arg0: i32) -> (i32, i32, i32) {
    %c0_i32 = arith.constant 0 : i32
    %c0_i32_0 = arith.constant 0 : i32
    %c0_i32_1 = arith.constant 0 : i32
    return %c0_i32, %arg0, %c0_i32_0 : i32, i32, i32
  }
  func.func @transform_2(%arg0: i32) -> (i32, i32) {
    %c0_i32 = arith.constant 0 : i32
    %c0_i32_0 = arith.constant 0 : i32
    %c0_i32_1 = arith.constant 0 : i32
    return %c0_i32, %c0_i32_0 : i32, i32
  }
  func.func @transform_3(%arg0: i32) -> (i32, i32) {
    %c0_i32 = arith.constant 0 : i32
    %c0_i32_0 = arith.constant 0 : i32
    return %arg0, %c0_i32 : i32, i32
  }
}

</mosaic_0001>

<sc_bundles>
// kernel: kernel.6.cloned.1.call-start
scs
__scs_entry_jumppad:
0x0: {  	(pc) =	sbr.rel $0x88, $3  }
0x1: {  	(tag) =	ssettag $0x0;
	lr =	simm.s32 $0x1  }
0x2: {  	[smem:$0x3F9D] =	sst lr;
	_ =	strace $0xD0000000  }
0x3: {  	_ = 	snop  }
0x4: {  	_ = 	snop  }
0x5: {  	_ = 	snop  }
0x6: {  	_ = 	snop  }
0x7: {  	_ = 	snop  }
__scs_overlays_trampoline_lowered:
0x8: {  	[smem:$0x3FAC] =	sst s0  }
0x9: {  	[smem:$0x3FAD] =	sst s1  }
0xa: {  	[smem:$0x3FAE] =	sst s2  }
0xb: {  	[smem:$0x3FAF] =	sst s3  }
0xc: {  	[smem:$0x3FB0] =	sst s4  }
0xd: {  	[smem:$0x3FB1] =	sst s5  }
0xe: {  	[smem:$0x3FB2] =	sst s6  }
0xf: {  	[smem:$0x3FB3] =	sst s7  }
0x10: {  	[smem:$0x3FB4] =	sst s8  }
0x11: {  	[smem:$0x3FB5] =	sst s9;
	s0 =	simm.s32 @!p0 $0x0  }
0x12: {  	s1 =	sld [smem:$0x3F9B];
	s0 =	simm.s32 @p0 $0x1  }
0x13: {  	[smem:$0x3FB6] =	sst s0;
	s0 =	simm.s32 @!p1 $0x0  }
0x14: {  	s2 =	sld [smem:$0x3F9A];
	s0 =	simm.s32 @p1 $0x1  }
0x15: {  	[smem:$0x3FB7] =	sst s0;
	s0 =	simm.s32 @!p2 $0x0  }
0x16: {  	s3 =	sld [smem:$0x3FDB];
	s0 =	simm.s32 @p2 $0x1  }
0x17: {  	s4 =	simm.s32 $0x1BF5;
	[smem:$0x3FB9] =	sst s0  }
0x18: {  	s0 =	sld [smem:$0x3F9C];
	_ =	swait.ge [sflag:s4], $0x0  }
0x19: {  	s7 =	sld [smem:$0x3F9D]  }
0x1a: {  	s8 =	sadd.s32 $0xFFFFE003, lr  }
0x1b: {  	s9 =	sadd.s32 $0xFFFFFEF7, lr;
	s5 =	simm.s32 $0xFFFFFFFF;
	p2 =	slt.u32 s8, $0xFFFFF086  }
0x1c: {  	p1 =	slt.u32 s9, $0xF7A;
	s5 =	simm.s32 @!p2 $0x0  }
0x1d: {  	s5 =	simm.s32 @p1 $0x1;
	p0 =	seq.s32 s7, s2  }
0x1e: {  	s7 =	smul.u32 @!p0 $0xF7A, s2;
	p2 =	seq.s32 @!p0 s5, $0x0  }
0x1f: {  	s9 =	smul.u32 $0xF7A, s1;
	s8 =	simm.s32 @!p0 $0x1BF5;
	p2 =	por !p2, p0  }
0x20: {  	[sflag:s8] =	ssyncset.s32 @!p0 $0xFFFFF086;
	s6 =	sadd.s32 @!p0 s3, s7;
	s7 =	simm.s32 @!p0 $0x108  }
0x21: {  	s3 =	sadd.s32 s3, s9;
	s6 =	sadd.s32 @!p0 $0x88, s6;
	s7 =	simm.s32 @p2 $0x1082  }
0x22: {  	[simem:s7], [sflag:s8] =	dma.local @!p0 [hbm:s6], $0xF7A  }
0x23: {  	s9 =	sor.u32 $0xD0000000, s2;
	s6 =	simm.s32 $0x108;
	_ =	swait.ge @!p0 [sflag:s8], $0x0  }
0x24: {  	s3 =	sadd.s32 $0x88, s3;
	s6 =	simm.s32 @!p1 $0x1082;
	[sflag:s4] =	ssyncset.s32 $0xFFFFF086  }
0x25: {  	[simem:s6], [sflag:s4] =	dma.local [hbm:s3], $0xF7A  }
0x26: {  	[smem:$0x3F9D] =	sst s1;
	(tag) =	ssettag s2;
	_ =	strace s9  }
0x27: {  	s1 =	sld [smem:$0x3FAD]  }
0x28: {  	s2 =	sld [smem:$0x3FAE]  }
0x29: {  	s4 =	sld [smem:$0x3FB0]  }
0x2a: {  	p0 =	seq.s32 s5, $0x0;
	s5 =	sld [smem:$0x3FB1]  }
0x2b: {  	s6 =	sld [smem:$0x3FB2]  }
0x2c: {  	s7 =	sld [smem:$0x3FB3]  }
0x2d: {  	s3 =	simm.s32 $0x108;
	s8 =	sld [smem:$0x3FB4]  }
0x2e: {  	s3 =	simm.s32 @!p0 $0x1082;
	s9 =	sld [smem:$0x3FB5]  }
0x2f: {  	lr =	sadd.s32 s0, s3;
	s0 =	sld [smem:$0x3FAC]  }
0x30: {  	s3 =	sld [smem:$0x3FAF]  }
0x31: {  	[smem:$0x3FB8] =	sst s10  }
0x32: {  	s10 =	sld [smem:$0x3FB6];
	_ =	sdelay $0x3  }
0x33: {  	p0 =	seq.s32 s10, $0x1;
	s10 =	sld [smem:$0x3FB8];
	_ =	sdelay $0x3  }
0x34: {  	[smem:$0x3FB8] =	sst s10  }
0x35: {  	s10 =	sld [smem:$0x3FB7];
	_ =	sdelay $0x3  }
0x36: {  	p1 =	seq.s32 s10, $0x1;
	s10 =	sld [smem:$0x3FB8];
	_ =	sdelay $0x3  }
0x37: {  	[smem:$0x3FB8] =	sst s10  }
0x38: {  	s10 =	sld [smem:$0x3FB9]  }
0x39: {  	_ = 	snop;
	(pc) =	sbr.ind lr, $3  }
0x3a: {  	_ = 	snop  }
0x3b: {  	_ = 	snop  }
0x3c: {  	p2 =	seq.s32 s10, $0x1;
	s10 =	sld [smem:$0x3FB8]  }
0x3d: {  	_ =	shalt  }
0x3e: {  	_ =	shalt  }
0x3f: {  	_ =	shalt  }
0x40: {  	_ =	shalt  }
0x41: {  	_ =	shalt  }
0x42: {  	_ =	shalt  }
0x43: {  	_ =	shalt  }
0x44: {  	_ =	shalt  }
0x45: {  	_ =	shalt  }
0x46: {  	_ =	shalt  }
0x47: {  	_ =	shalt  }
0x48: {  	_ =	shalt  }
0x49: {  	_ =	shalt  }
0x4a: {  	_ =	shalt  }
0x4b: {  	_ =	shalt  }
0x4c: {  	_ =	shalt  }
0x4d: {  	_ =	shalt  }
0x4e: {  	_ =	shalt  }
0x4f: {  	_ =	shalt  }
0x50: {  	_ =	shalt  }
0x51: {  	_ =	shalt  }
0x52: {  	_ =	shalt  }
0x53: {  	_ =	shalt  }
0x54: {  	_ =	shalt  }
0x55: {  	_ =	shalt  }
0x56: {  	_ =	shalt  }
0x57: {  	_ =	shalt  }
0x58: {  	_ =	shalt  }
0x59: {  	_ =	shalt  }
0x5a: {  	_ =	shalt  }
0x5b: {  	_ =	shalt  }
0x5c: {  	_ =	shalt  }
0x5d: {  	_ =	shalt  }
0x5e: {  	_ =	shalt  }
0x5f: {  	_ =	shalt  }
0x60: {  	_ =	shalt  }
0x61: {  	_ =	shalt  }
0x62: {  	_ =	shalt  }
0x63: {  	_ =	shalt  }
0x64: {  	_ =	shalt  }
0x65: {  	_ =	shalt  }
0x66: {  	_ =	shalt  }
0x67: {  	_ =	shalt  }
0x68: {  	_ =	shalt  }
0x69: {  	_ =	shalt  }
0x6a: {  	_ =	shalt  }
0x6b: {  	_ =	shalt  }
0x6c: {  	_ =	shalt  }
0x6d: {  	_ =	shalt  }
0x6e: {  	_ =	shalt  }
0x6f: {  	_ =	shalt  }
0x70: {  	_ =	shalt  }
0x71: {  	_ =	shalt  }
0x72: {  	_ =	shalt  }
0x73: {  	_ =	shalt  }
0x74: {  	_ =	shalt  }
0x75: {  	_ =	shalt  }
0x76: {  	_ =	shalt  }
0x77: {  	_ =	shalt  }
0x78: {  	_ =	shalt  }
0x79: {  	_ =	shalt  }
0x7a: {  	_ =	shalt  }
0x7b: {  	_ =	shalt  }
0x7c: {  	_ =	shalt  }
0x7d: {  	_ =	shalt  }
0x7e: {  	_ =	shalt  }
0x7f: {  	_ =	shalt  }
0x80: {  	_ =	shalt  }
0x81: {  	_ =	shalt  }
0x82: {  	_ =	shalt  }
0x83: {  	_ =	shalt  }
0x84: {  	_ =	shalt  }
0x85: {  	_ =	shalt  }
0x86: {  	_ =	shalt  }
0x87: {  	_ =	shalt  }
.Lfunc_end0:
.L_simem_size_0:
called_computation_lowered:
.L_overlay_start_0:
0x88: {  	s2 =	sld [smem:$0x3FD9]  }
0x89: {  	s3 =	sld [smem:$0x3FFE];
	_ =	sdelay $0x1  }
0x8a: {  	s1 =	srdreg.scid  }
0x8b: {  	s0 =	sand.u32 $0x1, s1  }
0x8c: {  	s17 =	sshll.u32 s0, $0xA;
	s2 =	sadd.s32 s3, s2  }
0x8d: {  	s2 =	sadd.s32 s2, s17  }
0x8e: {  	[smem:$0x3FC4] =	sst s2  }
0x8f: {  	_ = 	snop  }
0x90: {  	s2 =	sld [smem:$0x3FD0];
	(tm) =	ssettm $0x1  }
0x91: {  	s18 =	sld [smem:$0x3FFB];
	_ =	sdelay $0x3  }
0x92: {  	_ =	strace s18  }
0x93: {  	s3 =	sld [smem:$0x3FFC];
	_ =	sdelay $0x3  }
0x94: {  	_ =	strace s3  }
0x95: {  	s3 =	sld [smem:$0x3FFD];
	_ =	sdelay $0x3  }
0x96: {  	_ =	strace s3  }
0x97: {  	_ =	strace $0x8FFFFFFF  }
0x98: {  	s19 =	sld [smem:$0x3FDB];
	_ =	sdelay $0x1  }
0x99: {  	s4 =	simm.s32 $_scs_section_size  }
0x9a: {  	s5 =	simm.s32 $_size__tile_overlayer_lowered;
	s6 =	simm.s32 $_tile_overlayer_lowered  }
0x9b: {  	s22 =	simm.s32 $0x1BFF;
	s21 =	sshll.u32 s6, $0x1;
	s3 =	sadd.s32 s4, s19  }
0x9c: {  	s7 =	simm.s32 $0x0;
	s20 =	sshll.u32 s5, $0x1;
	s5 =	sadd.s32 s21, s3  }
0x9d: {  	[timem:s7], [sflag:s22] =	dma.local [hbm:s5], s20  }
0x9e: {  	_ =	swait.ge [sflag:s22], s20  }
0x9f: {  	s4 =	ssub.s32 $0x0, s20;
	[sflag:s22] =	ssyncset.done $0x0  }
0xa0: {  	[sflag:s22] =	ssyncadd.s32 s4;
	_ =	sdelay $0x1  }
0xa1: {  	s23 =	simm.s32 $0x1B8B  }
0xa2: {  	_ =	swait.ge [sflag:s23], $0x1  }
0xa3: {  	[sflag:s23] =	ssyncset.done $0x0  }
0xa4: {  	s25 =	simm.s32 $0x1B8E;
	s24 =	sld [smem:$0x3FFE];
	[sflag:s23] =	ssyncadd.s32 $0xFFFFFFFF  }
0xa5: {  	s26 =	simm.s32 $execute0_lowered;
	[smem:$0x3FD2] =	sst s25  }
0xa6: {  	s5 =	sshll.u32 s26, $0x1;
	_ =	strace $0x80000046;
	[dreg:$0x1] =	wrdreg $0xFFFFFFFF  }
0xa7: {  	s28 =	simm.s32 $_size_execute0_lowered;
	s3 =	sadd.s32 s3, s5;
	[dreg:$0x0] =	wrdreg $0x0  }
0xa8: {  	s5 =	sshll.u32 s28, $0x1;
	[dreg:$0x2] =	wrdreg s3  }
0xa9: {  	[dreg:$0x3] =	wrdreg s5  }
0xaa: {  	[dreg:$0x4] =	wrdreg $0xC0  }
0xab: {  	_ =	task [dreg:s7], $0x5FFFF  }
0xac: {  	[dreg:$0x1] =	wrdreg $0xFFFFFFFF  }
0xad: {  	[dreg:$0x0] =	wrdreg $0x60  }
0xae: {  	[dreg:$0x2] =	wrdreg s24  }
0xaf: {  	[dreg:$0x3] =	wrdreg s2  }
0xb0: {  	[dreg:$0x4] =	wrdreg $0x9  }
0xb1: {  	_ =	task.clear_ibuf [dreg:s7], $0x5FFFF;
	_ =	strace $0x90000046  }
0xb2: {  	s29 =	simm.s32 $0x9;
	_ =	strace $0x80000048  }
0xb3: {  	_ =	swait.ge [sflag:s29], $0x1  }
0xb4: {  	[sflag:s29] =	ssyncadd.s32 $0xFFFFFFFF  }
0xb5: {  	_ =	strace $0x90000048  }
0xb6: {  	_ =	sfence  }
0xb7: {  	s30 =	sld [smem:$0x0];
	_ =	sdelay $0x2  }
0xb8: {  	s31 =	sshll.u32 s1, $0xD;
	s1 =	sshrl.u32 s1, $0x2  }
0xb9: {  	s3 =	sand.u32 $0x4000, s31;
	s1 =	sadd.s32 s1, s30  }
0xba: {  	s0 =	sor.u32 s3, s0;
	s1 =	sshll.u32 s1, $0x11  }
0xbb: {  	s0 =	sor.u32 s1, s0  }
0xbc: {  	s0 =	sadd.s32 $0x8F2B, s0  }
0xbd: {  	[sflag:s0] =	ssyncadd.remote.s32 $0x1  }
0xbe: {  	_ =	sfence.sel $0xFFFF  }
0xbf: {  	[dreg:$0x0] =	wrdreg $0xFFFFFFFF;
	(pc) =	sbr.abs _section_cstart, $3  }
0xc0: {  	[dreg:$0x1] =	wrdreg $0xFFFFFFFF  }
0xc1: {  	_ =	task.clear_ibuf [dreg:s7], $0x2FFFF;
	_ =	strace $0x9FFFFFFF  }
0xc2: {  	(tm) =	ssettm $0x7FFFFFFF  }
0xc3: {  	_ =	shalt  }
tec
execute0_lowered:
.L_overlay_start_1:
0x0: {  	(tag) =	ssettag $0x1  }
0x1: {  	s3 =	rddreg [dreg:$0x0];
	s1 =	srdreg.scid  }
0x2: {  	s0 =	stileid.u32;
	s5 =	rddreg [dreg:$0x1]  }
0x3: {  	s2 =	simm.s32 $0x0;
	s4 =	sand.u32 $0x1, s1;
	s6 =	sshll.u32 s0, $0x1  }
0x4: {  	s9 =	simm.s32 $0x4F00;
	s10 =	simm.s32 $0x0;
	s6 =	sor.u32 s4, s6  }
0x5: {  	s1 =	rddreg [dreg:$0x2];
	s4 =	ssub.s32 $0x2, s4;
	s7 =	smul.u32 $0x4E2, s6  }
0x6: {  	[smem:$0x7FF] =	sst s2;
	s31 =	sshrl.u32 s4, $0x1;
	s6 =	smul.u32 $0xA00, s6  }
0x7: {  	_ =	strace $0x80000047;
	s8 =	ssub.s32 s4, s31;
	s7 =	sadd.s32 s7, s3  }
0x8: {  	s5 =	sadd.s32 s5, s6;
	s6 =	smax.u32 s8, $0x1;
	s8 =	simm.s32 $0x2780  }
0x9: {  	v0 =	vimm.f32 $0.0e+00;
	v1 =	vimm.f32 $1.000000000e+00;
	s3 =	sadd.s32 $0xA800, s7;
	s4 =	sadd.s32 $0xA00, s7;
	s7 =	simm.s32 $0x1  }
.LBB2_1:
0xa: {  	[tilespmem:s2], [sflag:$0x1] =	stream.linear.gather [hbm4b:s3+s2], $0x2710, $0x38;
	[tilespmem:$0x9F00] =	vst v63  }
0xb: {  	_ =	swait.ge [sflag:s7], $0x2710  }
0xc: {  	[sflag:s7] =	ssyncset.done $0x0  }
0xd: {  	[sflag:s7] =	ssyncadd.s32 $0xFFFFD8F0  }
0xe: {  	[tilespmem:s8], [sflag:$0x1] =	stream.linear.gather [hbm4b:s4+s2], $0x2710, $0x38;
	[tilespmem:$0x9F00] =	vst v63  }
0xf: {  	_ =	swait.ge [sflag:s7], $0x2710  }
0x10: {  	[sflag:s7] =	ssyncset.done $0x0  }
0x11: {  	s14 =	simm.s32 $0x4F40;
	[sflag:s7] =	ssyncadd.s32 $0xFFFFD8F0  }
0x12: {  	[tilespmem:s14+$0xFFFFFFC0] =	vst v0  }
0x13: {  	[tilespmem:s14+$0x30] =	vst v0  }
0x14: {  	[tilespmem:s14+$0x20] =	vst v0  }
0x15: {  	[tilespmem:s14+$0x10] =	vst v0  }
0x16: {  	[tilespmem:s14+$0x0] =	vst v0  }
0x17: {  	[tilespmem:s14+$0xFFFFFFF0] =	vst v0  }
0x18: {  	s15 =	simm.s32 $0x0;
	s11 =	simm.s32 $0x27A0;
	s12 =	simm.s32 $0x20;
	[tilespmem:s14+$0xFFFFFFE0] =	vst v0  }
.LBB2_2:
0x19: {  	s15 =	sadd.s32 $0x8, s15;
	[tilespmem:s14+$0xFFFFFFD0] =	vst v0;
	s14 =	sadd.s32 $0x80, s14;
	s13 =	simm.s32 $0xFFFFFFFC  }
0x1a: {  	[tilespmem:s14+$0xFFFFFFC0] =	vst v0;
	p0 =	slt.u32 s15, $0x4F8  }
0x1b: {  	[tilespmem:s14+$0x30] =	vst v0  }
.Ltmp0:
0x1c: {  	[tilespmem:s14+$0x20] =	vst v0;
	(pc) =	sbr.rel @p0 .LBB2_2-.Ltmp0, $4  }
0x1d: {  	[tilespmem:s14+$0x10] =	vst v0  }
0x1e: {  	[tilespmem:s14+$0x0] =	vst v0  }
0x1f: {  	[tilespmem:s14+$0xFFFFFFF0] =	vst v0  }
0x20: {  	[tilespmem:s14+$0xFFFFFFE0] =	vst v0  }
0x21: {  	[tilespmem:s14+$0xFFFFFFD0] =	vst v0  }
.LBB2_4:
0x22: {  	v2 =	vld [tilespmem:s12+$0xFFFFFFE0];
	_ =	sdelay $0x7  }
0x23: {  	[tilespmem:v2+s9+$0x0] =	vst.idx.add.f32.msk $0xffff, v1  }
0x24: {  	v2 =	vld [tilespmem:s11+$0xFFFFFFE0];
	_ =	sdelay $0x4  }
0x25: {  	v2 =	vadd.s32 $0x2800, v2;
	_ =	sdelay $0x4  }
0x26: {  	[tilespmem:v2+s9+$0x0] =	vst.idx.add.f32.msk $0xffff, v1  }
0x27: {  	v2 =	vld [tilespmem:s12+$0xFFFFFFF0];
	_ =	sdelay $0x7  }
0x28: {  	[tilespmem:v2+s9+$0x0] =	vst.idx.add.f32.msk $0xffff, v1  }
0x29: {  	v2 =	vld [tilespmem:s11+$0xFFFFFFF0];
	_ =	sdelay $0x4  }
0x2a: {  	v2 =	vadd.s32 $0x2800, v2;
	_ =	sdelay $0x4  }
0x2b: {  	[tilespmem:v2+s9+$0x0] =	vst.idx.add.f32.msk $0xffff, v1  }
0x2c: {  	v2 =	vld [tilespmem:s12+$0x0];
	_ =	sdelay $0x7  }
0x2d: {  	[tilespmem:v2+s9+$0x0] =	vst.idx.add.f32.msk $0xffff, v1  }
0x2e: {  	v2 =	vld [tilespmem:s11+$0x0];
	_ =	sdelay $0x4  }
0x2f: {  	v2 =	vadd.s32 $0x2800, v2;
	_ =	sdelay $0x4  }
0x30: {  	[tilespmem:v2+s9+$0x0] =	vst.idx.add.f32.msk $0xffff, v1  }
0x31: {  	v2 =	vld [tilespmem:s12+$0x10];
	_ =	sdelay $0x7  }
0x32: {  	[tilespmem:v2+s9+$0x0] =	vst.idx.add.f32.msk $0xffff, v1  }
0x33: {  	v2 =	vld [tilespmem:s11+$0x10];
	_ =	sdelay $0x3  }
0x34: {  	s13 =	sadd.s32 $0x4, s13  }
0x35: {  	p0 =	slt.u32 s13, $0x26C;
	v2 =	vadd.s32 $0x2800, v2  }
.Ltmp1:
0x36: {  	_ = 	snop;
	(pc) =	sbr.rel @p0 .LBB2_4-.Ltmp1, $2  }
0x37: {  	_ =	sdelay $0x2  }
0x38: {  	s12 =	sadd.s32 $0x40, s12;
	s11 =	sadd.s32 $0x40, s11;
	[tilespmem:v2+s9+$0x0] =	vst.idx.add.f32.msk $0xffff, v1  }
0x39: {  	v2 =	vld [tilespmem:$0x2700];
	_ =	sdelay $0x7  }
0x3a: {  	[tilespmem:v2+s9+$0x0] =	vst.idx.add.f32.msk $0xffff, v1  }
0x3b: {  	v2 =	vld [tilespmem:$0x4E80];
	_ =	sdelay $0x4  }
0x3c: {  	v2 =	vadd.s32 $0x2800, v2;
	_ =	sdelay $0x2  }
0x3d: {  	s10 =	sadd.s32 $0x1, s10  }
0x3e: {  	p0 =	sne.s32 s10, s6  }
.Ltmp2:
0x3f: {  	[tilespmem:v2+s9+$0x0] =	vst.idx.add.f32.msk $0xffff, v1;
	(pc) =	sbr.rel @p0 .LBB2_1-.Ltmp2, $4  }
0x40: {  	[hbm4b:s5+s2] =	stream.linear.scatter [tilespmem:s9], [sflag:$0x1], $0x5000, $0x38;
	[tilespmem:$0x9F00] =	vst v63  }
0x41: {  	_ =	swait.ge [sflag:s7], $0x5000  }
0x42: {  	[sflag:s7] =	ssyncset.done $0x0  }
0x43: {  	[sflag:s7] =	ssyncadd.s32 $0xFFFFB000  }
0x44: {  	_ =	sfence.sel $0x180000  }
0x45: {  	[bflag:$0x0] =	sbarrier.arrive $0xFFFF  }
0x46: {  	p0 =	sne.s32 s0, $0x0;
	_ =	strace $0x90000047  }
0x47: {  	s0 =	sadd.s32 @!p0 $0x100000, s1;
	[bflag:$0x2] =	sbarrier.arrive $0xFFFF  }
0x48: {  	[sflag:s0] =	ssyncadd.tile.s32 @!p0 $0x1;
	_ =	shalt  }
.Lfunc_end2:
_tile_overlayer_lowered:
.L_overlay_start_2:
0x49: {  	(tag) =	ssettag $0x2  }
0x4a: {  	s0 =	rddreg [dreg:$0x0];
	s2 =	stileid.u32  }
0x4b: {  	s1 =	rddreg [dreg:$0x1];
	p0 =	sne.s32 s2, $0x0  }
0x4c: {  	s3 =	rddreg [dreg:$0x2];
	[bflag:$0x3] =	sbarrier.arrive $0xFFFF;
	s2 =	simm.s32 @!p0 $0x1C01  }
0x4d: {  	[timem:s3], [sflag:s2] =	dma.local @!p0 [hbm:s0], s1  }
0x4e: {  	s0 =	simm.s32 @!p0 $0x1  }
0x4f: {  	_ =	swait.ge @!p0 [sflag:s0], s1  }
0x50: {  	s1 =	ssub.s32 @!p0 $0x0, s1;
	[sflag:s0] =	ssyncset.done @!p0 $0x0  }
0x51: {  	[sflag:s0] =	ssyncadd.s32 @!p0 s1  }
0x52: {  	[bflag:$0x3] =	sbarrier.arrive $0xFFFF  }
0x53: {  	_ =	shalt  }

// kernel: kernel.9.cloned.1.call-start
scs
__scs_entry_jumppad:
0x0: {  	(pc) =	sbr.rel $0x88, $3  }
0x1: {  	(tag) =	ssettag $0x0;
	lr =	simm.s32 $0x1  }
0x2: {  	[smem:$0x3F9D] =	sst lr;
	_ =	strace $0xD0000000  }
0x3: {  	_ = 	snop  }
0x4: {  	_ = 	snop  }
0x5: {  	_ = 	snop  }
0x6: {  	_ = 	snop  }
0x7: {  	_ = 	snop  }
__scs_overlays_trampoline_lowered:
0x8: {  	[smem:$0x3FAC] =	sst s0  }
0x9: {  	[smem:$0x3FAD] =	sst s1  }
0xa: {  	[smem:$0x3FAE] =	sst s2  }
0xb: {  	[smem:$0x3FAF] =	sst s3  }
0xc: {  	[smem:$0x3FB0] =	sst s4  }
0xd: {  	[smem:$0x3FB1] =	sst s5  }
0xe: {  	[smem:$0x3FB2] =	sst s6  }
0xf: {  	[smem:$0x3FB3] =	sst s7  }
0x10: {  	[smem:$0x3FB4] =	sst s8  }
0x11: {  	[smem:$0x3FB5] =	sst s9;
	s0 =	simm.s32 @!p0 $0x0  }
0x12: {  	s1 =	sld [smem:$0x3F9B];
	s0 =	simm.s32 @p0 $0x1  }
0x13: {  	[smem:$0x3FB6] =	sst s0;
	s0 =	simm.s32 @!p1 $0x0  }
0x14: {  	s2 =	sld [smem:$0x3F9A];
	s0 =	simm.s32 @p1 $0x1  }
0x15: {  	[smem:$0x3FB7] =	sst s0;
	s0 =	simm.s32 @!p2 $0x0  }
0x16: {  	s3 =	sld [smem:$0x3FDB];
	s0 =	simm.s32 @p2 $0x1  }
0x17: {  	s4 =	simm.s32 $0x1BF5;
	[smem:$0x3FB9] =	sst s0  }
0x18: {  	s0 =	sld [smem:$0x3F9C];
	_ =	swait.ge [sflag:s4], $0x0  }
0x19: {  	s7 =	sld [smem:$0x3F9D]  }
0x1a: {  	s8 =	sadd.s32 $0xFFFFE003, lr  }
0x1b: {  	s9 =	sadd.s32 $0xFFFFFEF7, lr;
	s5 =	simm.s32 $0xFFFFFFFF;
	p2 =	slt.u32 s8, $0xFFFFF086  }
0x1c: {  	p1 =	slt.u32 s9, $0xF7A;
	s5 =	simm.s32 @!p2 $0x0  }
0x1d: {  	s5 =	simm.s32 @p1 $0x1;
	p0 =	seq.s32 s7, s2  }
0x1e: {  	s7 =	smul.u32 @!p0 $0xF7A, s2;
	p2 =	seq.s32 @!p0 s5, $0x0  }
0x1f: {  	s9 =	smul.u32 $0xF7A, s1;
	s8 =	simm.s32 @!p0 $0x1BF5;
	p2 =	por !p2, p0  }
0x20: {  	[sflag:s8] =	ssyncset.s32 @!p0 $0xFFFFF086;
	s6 =	sadd.s32 @!p0 s3, s7;
	s7 =	simm.s32 @!p0 $0x108  }
0x21: {  	s3 =	sadd.s32 s3, s9;
	s6 =	sadd.s32 @!p0 $0x88, s6;
	s7 =	simm.s32 @p2 $0x1082  }
0x22: {  	[simem:s7], [sflag:s8] =	dma.local @!p0 [hbm:s6], $0xF7A  }
0x23: {  	s9 =	sor.u32 $0xD0000000, s2;
	s6 =	simm.s32 $0x108;
	_ =	swait.ge @!p0 [sflag:s8], $0x0  }
0x24: {  	s3 =	sadd.s32 $0x88, s3;
	s6 =	simm.s32 @!p1 $0x1082;
	[sflag:s4] =	ssyncset.s32 $0xFFFFF086  }
0x25: {  	[simem:s6], [sflag:s4] =	dma.local [hbm:s3], $0xF7A  }
0x26: {  	[smem:$0x3F9D] =	sst s1;
	(tag) =	ssettag s2;
	_ =	strace s9  }
0x27: {  	s1 =	sld [smem:$0x3FAD]  }
0x28: {  	s2 =	sld [smem:$0x3FAE]  }
0x29: {  	s4 =	sld [smem:$0x3FB0]  }
0x2a: {  	p0 =	seq.s32 s5, $0x0;
	s5 =	sld [smem:$0x3FB1]  }
0x2b: {  	s6 =	sld [smem:$0x3FB2]  }
0x2c: {  	s7 =	sld [smem:$0x3FB3]  }
0x2d: {  	s3 =	simm.s32 $0x108;
	s8 =	sld [smem:$0x3FB4]  }
0x2e: {  	s3 =	simm.s32 @!p0 $0x1082;
	s9 =	sld [smem:$0x3FB5]  }
0x2f: {  	lr =	sadd.s32 s0, s3;
	s0 =	sld [smem:$0x3FAC]  }
0x30: {  	s3 =	sld [smem:$0x3FAF]  }
0x31: {  	[smem:$0x3FB8] =	sst s10  }
0x32: {  	s10 =	sld [smem:$0x3FB6];
	_ =	sdelay $0x3  }
0x33: {  	p0 =	seq.s32 s10, $0x1;
	s10 =	sld [smem:$0x3FB8];
	_ =	sdelay $0x3  }
0x34: {  	[smem:$0x3FB8] =	sst s10  }
0x35: {  	s10 =	sld [smem:$0x3FB7];
	_ =	sdelay $0x3  }
0x36: {  	p1 =	seq.s32 s10, $0x1;
	s10 =	sld [smem:$0x3FB8];
	_ =	sdelay $0x3  }
0x37: {  	[smem:$0x3FB8] =	sst s10  }
0x38: {  	s10 =	sld [smem:$0x3FB9]  }
0x39: {  	_ = 	snop;
	(pc) =	sbr.ind lr, $3  }
0x3a: {  	_ = 	snop  }
0x3b: {  	_ = 	snop  }
0x3c: {  	p2 =	seq.s32 s10, $0x1;
	s10 =	sld [smem:$0x3FB8]  }
0x3d: {  	_ =	shalt  }
0x3e: {  	_ =	shalt  }
0x3f: {  	_ =	shalt  }
0x40: {  	_ =	shalt  }
0x41: {  	_ =	shalt  }
0x42: {  	_ =	shalt  }
0x43: {  	_ =	shalt  }
0x44: {  	_ =	shalt  }
0x45: {  	_ =	shalt  }
0x46: {  	_ =	shalt  }
0x47: {  	_ =	shalt  }
0x48: {  	_ =	shalt  }
0x49: {  	_ =	shalt  }
0x4a: {  	_ =	shalt  }
0x4b: {  	_ =	shalt  }
0x4c: {  	_ =	shalt  }
0x4d: {  	_ =	shalt  }
0x4e: {  	_ =	shalt  }
0x4f: {  	_ =	shalt  }
0x50: {  	_ =	shalt  }
0x51: {  	_ =	shalt  }
0x52: {  	_ =	shalt  }
0x53: {  	_ =	shalt  }
0x54: {  	_ =	shalt  }
0x55: {  	_ =	shalt  }
0x56: {  	_ =	shalt  }
0x57: {  	_ =	shalt  }
0x58: {  	_ =	shalt  }
0x59: {  	_ =	shalt  }
0x5a: {  	_ =	shalt  }
0x5b: {  	_ =	shalt  }
0x5c: {  	_ =	shalt  }
0x5d: {  	_ =	shalt  }
0x5e: {  	_ =	shalt  }
0x5f: {  	_ =	shalt  }
0x60: {  	_ =	shalt  }
0x61: {  	_ =	shalt  }
0x62: {  	_ =	shalt  }
0x63: {  	_ =	shalt  }
0x64: {  	_ =	shalt  }
0x65: {  	_ =	shalt  }
0x66: {  	_ =	shalt  }
0x67: {  	_ =	shalt  }
0x68: {  	_ =	shalt  }
0x69: {  	_ =	shalt  }
0x6a: {  	_ =	shalt  }
0x6b: {  	_ =	shalt  }
0x6c: {  	_ =	shalt  }
0x6d: {  	_ =	shalt  }
0x6e: {  	_ =	shalt  }
0x6f: {  	_ =	shalt  }
0x70: {  	_ =	shalt  }
0x71: {  	_ =	shalt  }
0x72: {  	_ =	shalt  }
0x73: {  	_ =	shalt  }
0x74: {  	_ =	shalt  }
0x75: {  	_ =	shalt  }
0x76: {  	_ =	shalt  }
0x77: {  	_ =	shalt  }
0x78: {  	_ =	shalt  }
0x79: {  	_ =	shalt  }
0x7a: {  	_ =	shalt  }
0x7b: {  	_ =	shalt  }
0x7c: {  	_ =	shalt  }
0x7d: {  	_ =	shalt  }
0x7e: {  	_ =	shalt  }
0x7f: {  	_ =	shalt  }
0x80: {  	_ =	shalt  }
0x81: {  	_ =	shalt  }
0x82: {  	_ =	shalt  }
0x83: {  	_ =	shalt  }
0x84: {  	_ =	shalt  }
0x85: {  	_ =	shalt  }
0x86: {  	_ =	shalt  }
0x87: {  	_ =	shalt  }
.Lfunc_end0:
.L_simem_size_0:
called_computation.1_lowered:
.L_overlay_start_0:
0x88: {  	s2 =	sld [smem:$0x3FD9]  }
0x89: {  	s3 =	sld [smem:$0x3FFE];
	_ =	sdelay $0x1  }
0x8a: {  	s1 =	srdreg.scid  }
0x8b: {  	s0 =	sand.u32 $0x1, s1  }
0x8c: {  	s17 =	sshll.u32 s0, $0xA;
	s2 =	sadd.s32 s3, s2  }
0x8d: {  	s2 =	sadd.s32 s2, s17  }
0x8e: {  	[smem:$0x3FC4] =	sst s2  }
0x8f: {  	_ = 	snop  }
0x90: {  	s2 =	sld [smem:$0x3FD0];
	(tm) =	ssettm $0x1  }
0x91: {  	s18 =	sld [smem:$0x3FFB];
	_ =	sdelay $0x3  }
0x92: {  	_ =	strace s18  }
0x93: {  	s3 =	sld [smem:$0x3FFC];
	_ =	sdelay $0x3  }
0x94: {  	_ =	strace s3  }
0x95: {  	s3 =	sld [smem:$0x3FFD];
	_ =	sdelay $0x3  }
0x96: {  	_ =	strace s3  }
0x97: {  	_ =	strace $0x8FFFFFFF  }
0x98: {  	s19 =	sld [smem:$0x3FDB];
	_ =	sdelay $0x1  }
0x99: {  	s4 =	simm.s32 $_scs_section_size  }
0x9a: {  	s5 =	simm.s32 $_size__tile_overlayer_lowered;
	s6 =	simm.s32 $_tile_overlayer_lowered  }
0x9b: {  	s22 =	simm.s32 $0x1BFF;
	s21 =	sshll.u32 s6, $0x1;
	s3 =	sadd.s32 s4, s19  }
0x9c: {  	s7 =	simm.s32 $0x0;
	s20 =	sshll.u32 s5, $0x1;
	s5 =	sadd.s32 s21, s3  }
0x9d: {  	[timem:s7], [sflag:s22] =	dma.local [hbm:s5], s20  }
0x9e: {  	_ =	swait.ge [sflag:s22], s20  }
0x9f: {  	s4 =	ssub.s32 $0x0, s20;
	[sflag:s22] =	ssyncset.done $0x0  }
0xa0: {  	[sflag:s22] =	ssyncadd.s32 s4;
	_ =	sdelay $0x1  }
0xa1: {  	s23 =	simm.s32 $0x1B8B  }
0xa2: {  	_ =	swait.ge [sflag:s23], $0x1  }
0xa3: {  	[sflag:s23] =	ssyncset.done $0x0  }
0xa4: {  	s25 =	simm.s32 $0x1B8E;
	s24 =	sld [smem:$0x3FFE];
	[sflag:s23] =	ssyncadd.s32 $0xFFFFFFFF  }
0xa5: {  	s26 =	simm.s32 $execute0_lowered;
	[smem:$0x3FD2] =	sst s25  }
0xa6: {  	s5 =	sshll.u32 s26, $0x1;
	_ =	strace $0x80000049;
	[dreg:$0x1] =	wrdreg $0xFFFFFFFF  }
0xa7: {  	s28 =	simm.s32 $_size_execute0_lowered;
	s3 =	sadd.s32 s3, s5;
	[dreg:$0x0] =	wrdreg $0x0  }
0xa8: {  	s5 =	sshll.u32 s28, $0x1;
	[dreg:$0x2] =	wrdreg s3  }
0xa9: {  	[dreg:$0x3] =	wrdreg s5  }
0xaa: {  	[dreg:$0x4] =	wrdreg $0xC0  }
0xab: {  	_ =	task [dreg:s7], $0x5FFFF  }
0xac: {  	[dreg:$0x1] =	wrdreg $0xFFFFFFFF  }
0xad: {  	[dreg:$0x0] =	wrdreg $0x60  }
0xae: {  	[dreg:$0x2] =	wrdreg s2  }
0xaf: {  	[dreg:$0x3] =	wrdreg s24  }
0xb0: {  	[dreg:$0x4] =	wrdreg $0x140000  }
0xb1: {  	[dreg:$0x5] =	wrdreg $0x9  }
0xb2: {  	_ =	task.clear_ibuf [dreg:s7], $0x6FFFF;
	_ =	strace $0x90000049  }
0xb3: {  	s29 =	simm.s32 $0x9;
	_ =	strace $0x8000004B  }
0xb4: {  	_ =	swait.ge [sflag:s29], $0x1  }
0xb5: {  	[sflag:s29] =	ssyncadd.s32 $0xFFFFFFFF  }
0xb6: {  	_ =	strace $0x9000004B  }
0xb7: {  	_ =	sfence  }
0xb8: {  	s30 =	sld [smem:$0x0];
	_ =	sdelay $0x2  }
0xb9: {  	s31 =	sshll.u32 s1, $0xD;
	s1 =	sshrl.u32 s1, $0x2  }
0xba: {  	s3 =	sand.u32 $0x4000, s31;
	s1 =	sadd.s32 s1, s30  }
0xbb: {  	s0 =	sor.u32 s3, s0;
	s1 =	sshll.u32 s1, $0x11  }
0xbc: {  	s0 =	sor.u32 s1, s0  }
0xbd: {  	s0 =	sadd.s32 $0x8F2B, s0  }
0xbe: {  	[sflag:s0] =	ssyncadd.remote.s32 $0x1  }
0xbf: {  	_ =	sfence.sel $0xFFFF  }
0xc0: {  	[dreg:$0x0] =	wrdreg $0xFFFFFFFF;
	(pc) =	sbr.abs _section_cstart, $3  }
0xc1: {  	[dreg:$0x1] =	wrdreg $0xFFFFFFFF  }
0xc2: {  	_ =	task.clear_ibuf [dreg:s7], $0x2FFFF;
	_ =	strace $0x9FFFFFFF  }
0xc3: {  	(tm) =	ssettm $0x7FFFFFFF  }
tec
execute0_lowered:
.L_overlay_start_1:
0x0: {  	(tag) =	ssettag $0x1  }
0x1: {  	s0 =	rddreg [dreg:$0x0];
	s1 =	stileid.u32  }
0x2: {  	s2 =	srdreg.scid;
	s5 =	rddreg [dreg:$0x1]  }
0x3: {  	s3 =	rddreg [dreg:$0x2];
	s4 =	simm.s32 $0x0;
	s15 =	simm.s32 $0x3  }
0x4: {  	s16 =	simm.s32 $0x5000;
	s17 =	simm.s32 $0x12000;
	s18 =	simm.s32 $0x7D  }
0x5: {  	s19 =	simm.s32 $0xA000;
	s20 =	simm.s32 $0xE000;
	s21 =	simm.s32 $0x1  }
0x6: {  	s22 =	simm.s32 $0x2;
	s23 =	simm.s32 $0x4F80;
	s6 =	smul.u32 $0x5000, s1  }
0x7: {  	s24 =	simm.s32 $0x9F00;
	s25 =	simm.s32 $0x9F80;
	s11 =	smul.u32 $0xA000, s1  }
0x8: {  	s26 =	simm.s32 $0x0;
	s7 =	sand.u32 $0x1, s2;
	s30 =	smul.u32 $0x28000, s1  }
0x9: {  	[smem:$0x7FF] =	sst s4;
	p0 =	sne.s32 s1, $0x0;
	s8 =	smul.u32 $0x50000, s7  }
0xa: {  	s9 =	smul.u32 $0xA0000, s7;
	_ =	strace $0x8000004A;
	s7 =	ssub.s32 $0x2, s7  }
0xb: {  	s10 =	sshrl.u32 s6, $0x3;
	s29 =	sshrl.u32 s7, $0x1;
	s31 =	sshrl.u32 s30, $0x2  }
0xc: {  	s10 =	sadd.s32 s10, s5;
	s6 =	sadd.s32 s6, s8;
	s28 =	sadd.s32 s11, s9  }
0xd: {  	s13 =	ssub.s32 s7, s29;
	s7 =	sadd.s32 s31, s3;
	s6 =	sshrl.u32 s6, $0x3  }
0xe: {  	s8 =	sshrl.u32 s28, $0x3;
	s11 =	sadd.s32 $0x2000, s7;
	s14 =	sadd.s32 $0x8000, s7  }
0xf: {  	s6 =	sadd.s32 s6, s5;
	s12 =	sadd.s32 s8, s5;
	s5 =	sadd.s32 $0x14600, s10  }
0x10: {  	s8 =	sadd.s32 $0xA0000, s3;
	s10 =	smax.u32 s13, $0x1;
	s13 =	sadd.s32 $0x6000, s7  }
0x11: {  	v0 =	vimm.f32 $0.0e+00;
	s6 =	sadd.s32 $0x1E600, s6;
	s9 =	sadd.s32 $0x32600, s12;
	s12 =	sadd.s32 $0x4000, s7  }
.LBB2_1:
0x12: {  	[tilespmem:s4], [sflag:$0x3] =	stream.linear.gather [hbm4b:s5+s4], $0x5000, $0x38;
	[tilespmem:$0x1E040] =	vst v63  }
0x13: {  	_ =	swait.ge [sflag:s15], $0x5000  }
0x14: {  	[sflag:s15] =	ssyncset.done $0x0  }
0x15: {  	[sflag:s15] =	ssyncadd.s32 $0xFFFFB000  }
0x16: {  	[tilespmem:s16], [sflag:$0x3] =	stream.linear.gather [hbm4b:s6+s4], $0x5000, $0x38;
	[tilespmem:$0x1E040] =	vst v63  }
0x17: {  	_ =	swait.ge [sflag:s15], $0x5000  }
0x18: {  	[sflag:s15] =	ssyncset.done $0x0  }
0x19: {  	s28 =	simm.s32 $0x0;
	s29 =	simm.s32 $0x200;
	[sflag:s15] =	ssyncadd.s32 $0xFFFFB000  }
.LBB2_2:
0x1a: {  	p1 =	sne.s32 s29, $0x7E00;
	[tilespmem:s28+$0x12070] =	vst v0  }
0x1b: {  	[tilespmem:s28+$0x12000] =	vst v0  }
0x1c: {  	[tilespmem:s28+$0x12010] =	vst v0  }
.Ltmp0:
0x1d: {  	[tilespmem:s28+$0x12020] =	vst v0;
	(pc) =	sbr.rel @p1 .LBB2_2-.Ltmp0, $4  }
0x1e: {  	[tilespmem:s28+$0x12030] =	vst v0  }
0x1f: {  	[tilespmem:s28+$0x12040] =	vst v0  }
0x20: {  	[tilespmem:s28+$0x12050] =	vst v0  }
0x21: {  	[tilespmem:s28+$0x12060] =	vst v0;
	s28 =	sshra.s32 s29, $0x2;
	s29 =	sadd.s32 $0x200, s29  }
0x22: {  	[tilespmem:s28+$0x12070] =	vst v0  }
0x23: {  	[tilespmem:s28+$0x12000] =	vst v0  }
0x24: {  	[tilespmem:s28+$0x12010] =	vst v0  }
0x25: {  	[tilespmem:s28+$0x12020] =	vst v0  }
0x26: {  	[tilespmem:s28+$0x12030] =	vst v0  }
0x27: {  	[tilespmem:s28+$0x12040] =	vst v0  }
0x28: {  	[tilespmem:s28+$0x12050] =	vst v0  }
0x29: {  	[tilespmem:s28+$0x12060] =	vst v0  }
0x2a: {  	[spmem:s7] =	stream.linear.scatter [tilespmem:s17], [sflag:$0x3], $0x2000, $0x38;
	[tilespmem:$0x1E040] =	vst v63  }
0x2b: {  	_ =	swait.ge [sflag:s15], $0x2000  }
0x2c: {  	[sflag:s15] =	ssyncset.done $0x0  }
0x2d: {  	[sflag:s15] =	ssyncadd.s32 $0xFFFFE000  }
0x2e: {  	[spmem:s11] =	stream.linear.scatter [tilespmem:s17], [sflag:$0x3], $0x2000, $0x38;
	[tilespmem:$0x1E040] =	vst v63  }
0x2f: {  	_ =	swait.ge [sflag:s15], $0x2000  }
0x30: {  	[sflag:s15] =	ssyncset.done $0x0  }
0x31: {  	[sflag:s15] =	ssyncadd.s32 $0xFFFFE000  }
0x32: {  	[spmem:s12] =	stream.linear.scatter [tilespmem:s17], [sflag:$0x3], $0x2000, $0x38;
	[tilespmem:$0x1E040] =	vst v63  }
0x33: {  	_ =	swait.ge [sflag:s15], $0x2000  }
0x34: {  	[sflag:s15] =	ssyncset.done $0x0  }
0x35: {  	[sflag:s15] =	ssyncadd.s32 $0xFFFFE000  }
0x36: {  	[spmem:s13] =	stream.linear.scatter [tilespmem:s17], [sflag:$0x3], $0x2000, $0x38;
	[tilespmem:$0x1E040] =	vst v63  }
0x37: {  	_ =	swait.ge [sflag:s15], $0x2000  }
0x38: {  	[sflag:s15] =	ssyncset.done $0x0  }
0x39: {  	[sflag:s15] =	ssyncadd.s32 $0xFFFFE000  }
0x3a: {  	[spmem:s14] =	stream.linear.scatter [tilespmem:s17], [sflag:$0x3], $0x2000, $0x38;
	[tilespmem:$0x1E040] =	vst v63  }
0x3b: {  	_ =	swait.ge [sflag:s15], $0x2000  }
0x3c: {  	[sflag:s15] =	ssyncset.done $0x0  }
0x3d: {  	s28 =	simm.s32 @!p0 $0x12000;
	[sflag:s15] =	ssyncadd.s32 $0xFFFFE000  }
0x3e: {  	[spmem:s8] =	stream.linear.scatter @!p0 [tilespmem:s28], [sflag:$0x3], $0x400, $0x38;
	[tilespmem:$0x1E040] =	vst v63  }
0x3f: {  	s28 =	simm.s32 @!p0 $0x3  }
0x40: {  	_ =	swait.ge @!p0 [sflag:s28], $0x400  }
0x41: {  	[sflag:s28] =	ssyncset.done @!p0 $0x0  }
0x42: {  	[sflag:s28] =	ssyncadd.s32 @!p0 $0xFFFFFC00  }
0x43: {  	s28 =	simm.s32 $0x0;
	[bflag:$0x0] =	sbarrier.arrive $0xFFFF  }
0x44: {  	[tilespmem:s19], [sflag:$0x1] =	stream.indirect.gather [hbm4b:s0+s18], $0x80, s28, s18, $0xb8;
	[tilespmem:$0x1E040] =	vst v63  }
0x45: {  	s28 =	simm.s32 $0x80  }
0x46: {  	[tilespmem:s20], [sflag:$0x2] =	stream.indirect.gather [hbm4b:s0+s18], $0x80, s28, s18, $0xb8;
	[tilespmem:$0x1E040] =	vst v63  }
0x47: {  	_ =	swait.ge [sflag:s21], $0x3E80  }
0x48: {  	[sflag:s21] =	ssyncset.done $0x0  }
0x49: {  	s28 =	simm.s32 $0x5000;
	[sflag:s21] =	ssyncadd.s32 $0xFFFFC180  }
0x4a: {  	[spmem:s3] =	stream.indirect.scatter.add.f32 [tilespmem:s19], [sflag:$0x3], $0x80, s28, s18, $0xb8;
	[tilespmem:$0x1E040] =	vst v63  }
0x4b: {  	_ =	swait.ge [sflag:s15], $0x3E80  }
0x4c: {  	[sflag:s15] =	ssyncset.done $0x0  }
0x4d: {  	s28 =	simm.s32 $0x100;
	[sflag:s15] =	ssyncadd.s32 $0xFFFFC180  }
0x4e: {  	[tilespmem:s19], [sflag:$0x1] =	stream.indirect.gather [hbm4b:s0+s18], $0x80, s28, s18, $0xb8;
	[tilespmem:$0x1E040] =	vst v63  }
0x4f: {  	_ =	swait.ge [sflag:s22], $0x3E80  }
0x50: {  	[sflag:s22] =	ssyncset.done $0x0  }
0x51: {  	s28 =	simm.s32 $0x5080;
	[sflag:s22] =	ssyncadd.s32 $0xFFFFC180  }
0x52: {  	[spmem:s3] =	stream.indirect.scatter.add.f32 [tilespmem:s20], [sflag:$0x3], $0x80, s28, s18, $0xb8;
	[tilespmem:$0x1E040] =	vst v63  }
0x53: {  	_ =	swait.ge [sflag:s15], $0x3E80  }
0x54: {  	s29 =	simm.s32 $0x800;
	s28 =	simm.s32 $0x100;
	[sflag:s15] =	ssyncset.done $0x0  }
.LBB2_4:
0x55: {  	s30 =	sadd.s32 $0x80, s28  }
0x56: {  	[sflag:s15] =	ssyncadd.s32 $0xFFFFC180;
	s31 =	smov.u32 s29;
	s2 =	sadd.s32 $0x400, s29  }
0x57: {  	[tilespmem:s20], [sflag:$0x2] =	stream.indirect.gather [hbm4b:s0+s18], $0x80, s30, s18, $0xb8;
	[tilespmem:$0x1E040] =	vst v63  }
0x58: {  	p1 =	sne.s32 s29, $0x13800;
	_ =	swait.ge [sflag:s21], $0x3E80  }
0x59: {  	[sflag:s21] =	ssyncset.done $0x0  }
0x5a: {  	s29 =	sadd.s32 $0x5000, s28;
	[sflag:s21] =	ssyncadd.s32 $0xFFFFC180  }
0x5b: {  	[spmem:s3] =	stream.indirect.scatter.add.f32 [tilespmem:s19], [sflag:$0x3], $0x80, s29, s18, $0xb8;
	[tilespmem:$0x1E040] =	vst v63  }
0x5c: {  	_ =	swait.ge [sflag:s15], $0x3E80  }
0x5d: {  	[sflag:s15] =	ssyncset.done $0x0  }
0x5e: {  	s29 =	sadd.s32 $0x100, s28;
	[sflag:s15] =	ssyncadd.s32 $0xFFFFC180  }
0x5f: {  	[tilespmem:s19], [sflag:$0x1] =	stream.indirect.gather [hbm4b:s0+s18], $0x80, s29, s18, $0xb8;
	[tilespmem:$0x1E040] =	vst v63  }
0x60: {  	_ =	swait.ge [sflag:s22], $0x3E80  }
.Ltmp1:
0x61: {  	[sflag:s22] =	ssyncset.done $0x0;
	(pc) =	sbr.rel @p1 .LBB2_4-.Ltmp1, $4  }
0x62: {  	s28 =	sadd.s32 $0x5080, s28;
	[sflag:s22] =	ssyncadd.s32 $0xFFFFC180  }
0x63: {  	[spmem:s3] =	stream.indirect.scatter.add.f32 [tilespmem:s20], [sflag:$0x3], $0x80, s28, s18, $0xb8;
	[tilespmem:$0x1E040] =	vst v63  }
0x64: {  	_ =	swait.ge [sflag:s15], $0x3E80  }
0x65: {  	s29 =	smov.u32 s2;
	s28 =	sshra.s32 s31, $0x2;
	[sflag:s15] =	ssyncset.done $0x0  }
0x66: {  	s2 =	sadd.s32 $0x80, s28;
	[sflag:s15] =	ssyncadd.s32 $0xFFFFC180  }
0x67: {  	[tilespmem:s20], [sflag:$0x2] =	stream.indirect.gather [hbm4b:s0+s18], $0x80, s2, s18, $0xb8;
	[tilespmem:$0x1E040] =	vst v63  }
0x68: {  	_ =	swait.ge [sflag:s21], $0x3E80  }
0x69: {  	[sflag:s21] =	ssyncset.done $0x0  }
0x6a: {  	s30 =	sadd.s32 $0x5000, s28;
	[sflag:s21] =	ssyncadd.s32 $0xFFFFC180  }
0x6b: {  	[spmem:s3] =	stream.indirect.scatter.add.f32 [tilespmem:s19], [sflag:$0x3], $0x80, s30, s18, $0xb8;
	[tilespmem:$0x1E040] =	vst v63  }
0x6c: {  	_ =	swait.ge [sflag:s15], $0x3E80  }
0x6d: {  	[sflag:s15] =	ssyncset.done $0x0  }
0x6e: {  	s31 =	sadd.s32 $0x100, s28;
	[sflag:s15] =	ssyncadd.s32 $0xFFFFC180  }
0x6f: {  	[tilespmem:s19], [sflag:$0x1] =	stream.indirect.gather [hbm4b:s0+s18], $0x80, s31, s18, $0xb8;
	[tilespmem:$0x1E040] =	vst v63  }
0x70: {  	_ =	swait.ge [sflag:s22], $0x3E80  }
0x71: {  	[sflag:s22] =	ssyncset.done $0x0  }
0x72: {  	s29 =	sadd.s32 $0x5080, s28;
	[sflag:s22] =	ssyncadd.s32 $0xFFFFC180  }
0x73: {  	[spmem:s3] =	stream.indirect.scatter.add.f32 [tilespmem:s20], [sflag:$0x3], $0x80, s29, s18, $0xb8;
	[tilespmem:$0x1E040] =	vst v63  }
0x74: {  	_ =	swait.ge [sflag:s15], $0x3E80  }
0x75: {  	[sflag:s15] =	ssyncset.done $0x0  }
0x76: {  	[sflag:s15] =	ssyncadd.s32 $0xFFFFC180  }
0x77: {  	[tilespmem:s20], [sflag:$0x2] =	stream.indirect.gather [hbm4b:s0+s18], $0x80, s23, s18, $0xb8;
	[tilespmem:$0x1E040] =	vst v63  }
0x78: {  	_ =	swait.ge [sflag:s21], $0x3E80  }
0x79: {  	[sflag:s21] =	ssyncset.done $0x0  }
0x7a: {  	[sflag:s21] =	ssyncadd.s32 $0xFFFFC180  }
0x7b: {  	[spmem:s3] =	stream.indirect.scatter.add.f32 [tilespmem:s19], [sflag:$0x3], $0x80, s24, s18, $0xb8;
	[tilespmem:$0x1E040] =	vst v63  }
0x7c: {  	_ =	swait.ge [sflag:s15], $0x3E80  }
0x7d: {  	[sflag:s15] =	ssyncset.done $0x0  }
0x7e: {  	[sflag:s15] =	ssyncadd.s32 $0xFFFFC180  }
0x7f: {  	[tilespmem:s19], [sflag:$0x1] =	stream.indirect.gather [hbm4b:s0+s18], $0x80, s23, s18, $0xb8;
	[tilespmem:$0x1E040] =	vst v63  }
0x80: {  	_ =	swait.ge [sflag:s22], $0x3E80  }
0x81: {  	[sflag:s22] =	ssyncset.done $0x0  }
0x82: {  	[sflag:s22] =	ssyncadd.s32 $0xFFFFC180  }
0x83: {  	[spmem:s3] =	stream.indirect.scatter.add.f32 [tilespmem:s20], [sflag:$0x3], $0x80, s25, s18, $0xb8;
	[tilespmem:$0x1E040] =	vst v63  }
0x84: {  	_ =	swait.ge [sflag:s15], $0x3E80  }
0x85: {  	[sflag:s15] =	ssyncset.done $0x0  }
0x86: {  	[sflag:s15] =	ssyncadd.s32 $0xFFFFC180  }
0x87: {  	_ =	swait.ge [sflag:s21], $0x3E80  }
0x88: {  	s26 =	sadd.s32 $0x1, s26;
	s30 =	sshll.u32 s1, $0x6;
	[sflag:s21] =	ssyncset.done $0x0  }
0x89: {  	p1 =	sne.s32 s26, s10;
	s2 =	sor.u32 $0x1C03, s30;
	[sflag:s21] =	ssyncadd.s32 $0xFFFFC180  }
.Ltmp2:
0x8a: {  	s31 =	sshrl.u32 s7, $0x3;
	[bflag:$0x0] =	sbarrier.arrive $0xFFFF;
	(pc) =	sbr.rel @p1 .LBB2_1-.Ltmp2, $4  }
0x8b: {  	[hbm:s9], [sflag:s2] =	dma.local [spmem:s31], $0x1400  }
0x8c: {  	_ =	swait.ge [sflag:s15], $0x1400  }
0x8d: {  	[sflag:s15] =	ssyncset.done $0x0  }
0x8e: {  	[sflag:s15] =	ssyncadd.s32 $0xFFFFEC00  }
0x8f: {  	_ =	sfence.sel $0x180000  }
0x90: {  	[bflag:$0x0] =	sbarrier.arrive $0xFFFF  }
0x91: {  	_ =	strace $0x9000004A  }
0x92: {  	[bflag:$0x2] =	sbarrier.arrive $0xFFFF  }
0x93: {  	s0 =	rddreg [dreg:$0x3]  }
0x94: {  	s0 =	sadd.s32 @!p0 $0x100000, s0  }
0x95: {  	[sflag:s0] =	ssyncadd.tile.s32 @!p0 $0x1;
	_ =	shalt  }
.Lfunc_end2:
_tile_overlayer_lowered:
.L_overlay_start_2:
0x96: {  	(tag) =	ssettag $0x2  }
0x97: {  	s0 =	rddreg [dreg:$0x0];
	s2 =	stileid.u32  }
0x98: {  	s1 =	rddreg [dreg:$0x1];
	p0 =	sne.s32 s2, $0x0  }
0x99: {  	s3 =	rddreg [dreg:$0x2];
	[bflag:$0x3] =	sbarrier.arrive $0xFFFF;
	s2 =	simm.s32 @!p0 $0x1C03  }
0x9a: {  	[timem:s3], [sflag:s2] =	dma.local @!p0 [hbm:s0], s1  }
0x9b: {  	s0 =	simm.s32 @!p0 $0x3  }
0x9c: {  	_ =	swait.ge @!p0 [sflag:s0], s1  }
0x9d: {  	s1 =	ssub.s32 @!p0 $0x0, s1;
	[sflag:s0] =	ssyncset.done @!p0 $0x0  }
0x9e: {  	[sflag:s0] =	ssyncadd.s32 @!p0 s1  }
0x9f: {  	[bflag:$0x3] =	sbarrier.arrive $0xFFFF  }
0xa0: {  	_ =	shalt  }

</sc_bundles>
